<compile_context>
chip_gen: v7x
topology: tpu7x:2x2x1
jax: 0.10.2.dev20260603
libtpu: 0.0.44.dev20260713+nightly
codegen_flags: <defaults>
</compile_context>

<pallas_src>
import jax
import jax.numpy as jnp
from jax import lax
from jax.experimental import pallas as pl
from jax.experimental.pallas import tpu as pltpu
from jax.experimental.pallas import tpu_sc as plsc

N = 10000
D = 128
NC = 2
NS = 16
NW = NC * NS
B = 128
NP = 10240
RPS = NP // NS
NPD = 10240
RPSD = NPD // NS


def _mesh():
    return plsc.VectorSubcoreMesh(
        core_axis_name="c", subcore_axis_name="s",
        num_cores=NC, num_subcores=NS)


def _worker_ids():
    c = lax.axis_index("c")
    s = lax.axis_index("s")
    return c, s, s * NC + c


def _degree_body(dstp_hbm, zeros1_hbm, out_hbm, dst_v, ones_v, deg_sh, sem):
    c, s, w = _worker_ids()
    pltpu.sync_copy(zeros1_hbm, deg_sh.at[pl.ds(s * RPSD, RPSD)])
    pltpu.sync_copy(dstp_hbm.at[w], dst_v)
    for g in range(B // 16):
        ones_v[pl.ds(g * 16, 16)] = jnp.ones((16,), jnp.float32)
    plsc.subcore_barrier()

    def step(j, _):
        pltpu.sync_copy(ones_v, deg_sh.at[dst_v.at[j]], add=True)
        return 0

    lax.fori_loop(0, dstp_hbm.shape[1], step, 0)
    plsc.subcore_barrier()
    pltpu.sync_copy(deg_sh.at[pl.ds(s * RPSD, RPSD)],
                    out_hbm.at[pl.ds(c * NPD + s * RPSD, RPSD)])


def _degree(dstp, zeros1, cwd):
    kern = pl.kernel(
        _degree_body,
        out_type=jax.ShapeDtypeStruct((NC * NPD,), jnp.float32),
        mesh=_mesh(),
        scratch_types=[
            pltpu.VMEM((cwd, B), jnp.int32),
            pltpu.VMEM((B,), jnp.float32),
            pltpu.VMEM_SHARED((NPD,), jnp.float32),
            pltpu.SemaphoreType.DMA,
        ],
    )
    return kern(dstp, zeros1)


def _agg_body(y_hbm, srcp_hbm, dstp_hbm, zeros2_hbm, out_hbm,
              src_v, dst_v, rows_v, acc_sh, sem):
    c, s, w = _worker_ids()
    pltpu.sync_copy(zeros2_hbm, acc_sh.at[pl.ds(s * RPS, RPS)])
    pltpu.sync_copy(srcp_hbm.at[w], src_v)
    pltpu.sync_copy(dstp_hbm.at[w], dst_v)
    plsc.subcore_barrier()

    def step(j, _):
        pltpu.async_copy(y_hbm.at[src_v.at[j]], rows_v, sem).wait()
        pltpu.sync_copy(rows_v, acc_sh.at[dst_v.at[j]], add=True)
        return 0

    lax.fori_loop(0, srcp_hbm.shape[1], step, 0)
    plsc.subcore_barrier()
    pltpu.sync_copy(acc_sh.at[pl.ds(s * RPS, RPS)],
                    out_hbm.at[c, pl.ds(s * RPS, RPS)])


def _aggregate(y, srcp, dstp, zeros2):
    kern = pl.kernel(
        _agg_body,
        out_type=jax.ShapeDtypeStruct((NC, NP, D), jnp.float32),
        mesh=_mesh(),
        scratch_types=[
            pltpu.VMEM((srcp.shape[1], B), jnp.int32),
            pltpu.VMEM((srcp.shape[1], B), jnp.int32),
            pltpu.VMEM((B, D), jnp.float32),
            pltpu.VMEM_SHARED((NP, D), jnp.float32),
            pltpu.SemaphoreType.DMA,
        ],
    )
    return kern(y, srcp, dstp, zeros2)


def _tc1_body(x_ref, w_ref, degt_ref, y_ref, dinv_ref):
    deg = 1.0 + degt_ref[:, 0:1] + degt_ref[:, 1:2]
    dinv = lax.rsqrt(deg)
    dinv_ref[...] = dinv
    xw = jnp.dot(x_ref[...], w_ref[...], preferred_element_type=jnp.float32)
    y_ref[...] = xw * dinv


def _tc1(x_pad, W1, degt):
    return pl.pallas_call(
        _tc1_body,
        out_shape=(jax.ShapeDtypeStruct((NP, D), jnp.float32),
                   jax.ShapeDtypeStruct((NP, 1), jnp.float32)),
    )(x_pad, W1, degt)


def _tc2_body(p_ref, y_ref, dinv_ref, b_ref, w_ref, y2_ref):
    dinv = dinv_ref[...]
    pre = dinv * (p_ref[0] + p_ref[1] + y_ref[...]) + b_ref[...]
    h = jnp.maximum(pre, 0.0)
    y2_ref[...] = jnp.dot(h, w_ref[...],
                          preferred_element_type=jnp.float32) * dinv


def _tc2(p, y1, dinv, b1, W2):
    return pl.pallas_call(
        _tc2_body,
        out_shape=jax.ShapeDtypeStruct((NP, D), jnp.float32),
    )(p, y1, dinv, b1, W2)


def _tc3_body(p_ref, y_ref, dinv_ref, b_ref, out_ref):
    out_ref[...] = dinv_ref[...] * (p_ref[0] + p_ref[1] + y_ref[...]) \
        + b_ref[...]


def _tc3(p, y2, dinv, b2):
    return pl.pallas_call(
        _tc3_body,
        out_shape=jax.ShapeDtypeStruct((NP, D), jnp.float32),
    )(p, y2, dinv, b2)


@jax.jit
def kernel(x, edge_index, batch, W1, b1, W2, b2):
    del batch
    x = x.astype(jnp.float32)
    e = edge_index.shape[1]
    src = edge_index[0].astype(jnp.int32)
    dst = edge_index[1].astype(jnp.int32)

    cwd = -(-e // (NW * B))
    epd = NW * B * cwd
    dst_pd = jnp.concatenate(
        [dst, jnp.full((epd - e,), N, jnp.int32)]).reshape(NW, cwd, B)

    cw = -(-e // (NW * B))
    ep = NW * B * cw
    src_p = jnp.concatenate(
        [src, jnp.zeros((ep - e,), jnp.int32)]).reshape(NW, cw, B)
    dst_p = jnp.concatenate(
        [dst, jnp.full((ep - e,), N, jnp.int32)]).reshape(NW, cw, B)
    x_pad = jnp.zeros((NP, D), jnp.float32).at[:N].set(x)
    zeros1 = jnp.zeros((RPSD,), jnp.float32)
    zeros2 = jnp.zeros((RPS, D), jnp.float32)

    degp = _degree(dst_pd, zeros1, cwd).reshape(NC, NPD)[:, :NP]
    degt = jnp.transpose(degp)
    y1, dinv = _tc1(x_pad, W1, degt)
    p1 = _aggregate(y1, src_p, dst_p, zeros2)
    y2 = _tc2(p1, y1, dinv, b1.reshape(1, D), W2)
    p2 = _aggregate(y2, src_p, dst_p, zeros2)
    out = _tc3(p2, y2, dinv, b2.reshape(1, D))
    return out[:N]

# --- scband reference (transcript-rebuilt; emitter-appended) ---
"""Pipeline reference for scband-gcnencoder-3178275799751 (READ-ONLY COPY).

The authoritative reference and input builder live on the scoring server;
editing this copy changes nothing except your own understanding.
"""

import jax, jax.numpy as jnp
import numpy as np

N = 10000
E = 320000
D_IN = 128
D_H = 128
D_OUT = 128


def _glorot(key, shape):
    fan_in, fan_out = shape[0], shape[1]
    limit = float(np.sqrt(6.0 / (fan_in + fan_out)))
    return jax.random.uniform(key, shape, dtype=jnp.float32, minval=-limit, maxval=limit)


def setup_inputs(seed: int = 0) -> dict:
    key = jax.random.key(seed)
    k_x, k_ei, k_b, k_w1, k_w2 = jax.random.split(key, 5)
    x = jax.random.normal(k_x, (N, D_IN), dtype=jnp.float32)
    edge_index = jax.random.randint(k_ei, (2, E), 0, N, dtype=jnp.int64 if jax.config.jax_enable_x64 else jnp.int32)
    batch = jnp.sort(jax.random.randint(k_b, (N,), 0, 64, dtype=jnp.int32))
    W1 = _glorot(k_w1, (D_IN, D_H))
    b1 = jnp.zeros((D_H,), dtype=jnp.float32)
    W2 = _glorot(k_w2, (D_H, D_OUT))
    b2 = jnp.zeros((D_OUT,), dtype=jnp.float32)
    return {"x": x, "edge_index": edge_index, "batch": batch, "W1": W1, "b1": b1, "W2": W2, "b2": b2}


def _gcn_conv(x, src, dst, W, b, n_nodes):
    # GCNConv: add self-loops, symmetric D^-1/2 (A+I) D^-1/2 normalization
    loop = jnp.arange(n_nodes, dtype=src.dtype)
    src_f = jnp.concatenate([src, loop])
    dst_f = jnp.concatenate([dst, loop])
    deg = jnp.zeros((n_nodes,), dtype=jnp.float32).at[dst_f].add(1.0)
    dinv = jnp.where(deg > 0, jax.lax.rsqrt(deg), 0.0)
    norm = dinv[src_f] * dinv[dst_f]
    xw = x @ W
    msg = xw[src_f] * norm[:, None]
    out = jnp.zeros((n_nodes, W.shape[1]), dtype=jnp.float32).at[dst_f].add(msg)
    return out + b


def reference(x, edge_index, batch, W1, b1, W2, b2):
    x = x.astype(jnp.float32)
    src, dst = edge_index[0], edge_index[1]
    h = _gcn_conv(x, src, dst, W1, b1, x.shape[0])
    h = jax.nn.relu(h)
    out = _gcn_conv(h, src, dst, W2, b2, x.shape[0])
    return out

if __name__ == "__main__":
    import jax
    _d = setup_inputs()
    print(jax.jit(kernel)(*tuple(_d.values())))

</pallas_src>

<mosaic_0001>
#map = affine_map<(d0, d1) -> (0, 0)>
#map1 = affine_map<(d0, d1) -> (0, 0, 0)>
module attributes {stable_mosaic.version = 14 : i64} {
  func.func @_agg_body(%arg0: i32, %arg1: i32, %arg2: memref<10240x128xf32, #tpu.memory_space<hbm>>, %arg3: memref<32x79x128xi32, #tpu.memory_space<hbm>>, %arg4: memref<32x79x128xi32, #tpu.memory_space<hbm>>, %arg5: memref<640x128xf32, #tpu.memory_space<hbm>>, %arg6: memref<2x10240x128xf32, #tpu.memory_space<hbm>>, %arg7: memref<79x128xi32, #tpu.memory_space<vmem>>, %arg8: memref<79x128xi32, #tpu.memory_space<vmem>>, %arg9: memref<128x128xf32, #tpu.memory_space<vmem>>, %arg10: memref<10240x128xf32, #tpu.memory_space<vmem_shared>>, %arg11: memref<!tpu.dma_semaphore, #tpu.memory_space<semaphore_mem>>) attributes {dimension_semantics = [#tpu.dimension_semantics<core_parallel>, #tpu.dimension_semantics<subcore_parallel>], iteration_bounds = array<i64: 2, 16>, scalar_prefetch = 0 : i64, scratch_operands = 5 : i64, tpu.core_type = #tpu.core_type<sc_vector_subcore>, window_params = [{transform_indices = #map}, {transform_indices = #map1}, {transform_indices = #map1}, {transform_indices = #map}, {transform_indices = #map1}]} {
    %mul3A = arith.constant 2 : i32
    %mul3A_0 = arith.muli %arg1, %mul3A : i32
    %add3A = arith.addi %mul3A_0, %arg0 : i32
    %mul3A_1 = arith.constant 640 : i32
    %mul3A_2 = arith.muli %arg1, %mul3A_1 : i32
    "tpu.region"() ({
      %run_scoped3A = tpu.sem_alloc : memref<!tpu.dma_semaphore, #tpu.memory_space<semaphore_mem>>
      %dma_start3A = arith.constant 0 : i32
      %dma_start3A_14 = tpu.memref_slice %arg10[%mul3A_2, %dma_start3A] : memref<10240x128xf32, #tpu.memory_space<vmem_shared>> -> memref<640x128xf32, #tpu.memory_space<vmem_shared>>
      tpu.enqueue_dma source(%arg5 : memref<640x128xf32, #tpu.memory_space<hbm>>) target(%dma_start3A_14 : memref<640x128xf32, #tpu.memory_space<vmem_shared>>) target_semaphore(%run_scoped3A : memref<!tpu.dma_semaphore, #tpu.memory_space<semaphore_mem>>)
      %dma_wait3A = arith.constant 0 : i32
      %dma_wait3A_15 = tpu.memref_slice %arg10[%mul3A_2, %dma_wait3A] : memref<10240x128xf32, #tpu.memory_space<vmem_shared>> -> memref<640x128xf32, #tpu.memory_space<vmem_shared>>
      tpu.wait_dma2 semaphore(%run_scoped3A : memref<!tpu.dma_semaphore, #tpu.memory_space<semaphore_mem>>) src(%arg5 : memref<640x128xf32, #tpu.memory_space<hbm>>) dst(%dma_wait3A_15 : memref<640x128xf32, #tpu.memory_space<vmem_shared>>)
      tpu.yield
    }) : () -> ()
    "tpu.region"() ({
      %run_scoped3A = tpu.sem_alloc : memref<!tpu.dma_semaphore, #tpu.memory_space<semaphore_mem>>
      %dma_start3A = arith.constant 0 : i32
      %dma_start3A_14 = arith.constant 0 : i32
      %dma_start3A_15 = tpu.memref_slice %arg3[%add3A, %dma_start3A, %dma_start3A_14] : memref<32x79x128xi32, #tpu.memory_space<hbm>> -> memref<1x79x128xi32, #tpu.memory_space<hbm>>
      %dma_start3A_16 = tpu.memref_squeeze %dma_start3A_15 : memref<1x79x128xi32, #tpu.memory_space<hbm>> -> memref<79x128xi32, #tpu.memory_space<hbm>>
      %dma_start3A_17 = arith.constant 0 : i32
      %dma_start3A_18 = arith.constant 0 : i32
      %dma_start3A_19 = tpu.memref_slice %arg3[%add3A, %dma_start3A_17, %dma_start3A_18] : memref<32x79x128xi32, #tpu.memory_space<hbm>> -> memref<1x79x128xi32, #tpu.memory_space<hbm>>
      %dma_start3A_20 = tpu.memref_squeeze %dma_start3A_19 : memref<1x79x128xi32, #tpu.memory_space<hbm>> -> memref<79x128xi32, #tpu.memory_space<hbm>>
      tpu.enqueue_dma source(%dma_start3A_20 : memref<79x128xi32, #tpu.memory_space<hbm>>) target(%arg7 : memref<79x128xi32, #tpu.memory_space<vmem>>) target_semaphore(%run_scoped3A : memref<!tpu.dma_semaphore, #tpu.memory_space<semaphore_mem>>)
      %dma_wait3A = arith.constant 0 : i32
      %dma_wait3A_21 = arith.constant 0 : i32
      %dma_wait3A_22 = tpu.memref_slice %arg3[%add3A, %dma_wait3A, %dma_wait3A_21] : memref<32x79x128xi32, #tpu.memory_space<hbm>> -> memref<1x79x128xi32, #tpu.memory_space<hbm>>
      %dma_wait3A_23 = tpu.memref_squeeze %dma_wait3A_22 : memref<1x79x128xi32, #tpu.memory_space<hbm>> -> memref<79x128xi32, #tpu.memory_space<hbm>>
      %dma_wait3A_24 = arith.constant 0 : i32
      %dma_wait3A_25 = arith.constant 0 : i32
      %dma_wait3A_26 = tpu.memref_slice %arg3[%add3A, %dma_wait3A_24, %dma_wait3A_25] : memref<32x79x128xi32, #tpu.memory_space<hbm>> -> memref<1x79x128xi32, #tpu.memory_space<hbm>>
      %dma_wait3A_27 = tpu.memref_squeeze %dma_wait3A_26 : memref<1x79x128xi32, #tpu.memory_space<hbm>> -> memref<79x128xi32, #tpu.memory_space<hbm>>
      tpu.wait_dma2 semaphore(%run_scoped3A : memref<!tpu.dma_semaphore, #tpu.memory_space<semaphore_mem>>) src(%dma_wait3A_27 : memref<79x128xi32, #tpu.memory_space<hbm>>) dst(%arg7 : memref<79x128xi32, #tpu.memory_space<vmem>>)
      tpu.yield
    }) : () -> ()
    "tpu.region"() ({
      %run_scoped3A = tpu.sem_alloc : memref<!tpu.dma_semaphore, #tpu.memory_space<semaphore_mem>>
      %dma_start3A = arith.constant 0 : i32
      %dma_start3A_14 = arith.constant 0 : i32
      %dma_start3A_15 = tpu.memref_slice %arg4[%add3A, %dma_start3A, %dma_start3A_14] : memref<32x79x128xi32, #tpu.memory_space<hbm>> -> memref<1x79x128xi32, #tpu.memory_space<hbm>>
      %dma_start3A_16 = tpu.memref_squeeze %dma_start3A_15 : memref<1x79x128xi32, #tpu.memory_space<hbm>> -> memref<79x128xi32, #tpu.memory_space<hbm>>
      %dma_start3A_17 = arith.constant 0 : i32
      %dma_start3A_18 = arith.constant 0 : i32
      %dma_start3A_19 = tpu.memref_slice %arg4[%add3A, %dma_start3A_17, %dma_start3A_18] : memref<32x79x128xi32, #tpu.memory_space<hbm>> -> memref<1x79x128xi32, #tpu.memory_space<hbm>>
      %dma_start3A_20 = tpu.memref_squeeze %dma_start3A_19 : memref<1x79x128xi32, #tpu.memory_space<hbm>> -> memref<79x128xi32, #tpu.memory_space<hbm>>
      tpu.enqueue_dma source(%dma_start3A_20 : memref<79x128xi32, #tpu.memory_space<hbm>>) target(%arg8 : memref<79x128xi32, #tpu.memory_space<vmem>>) target_semaphore(%run_scoped3A : memref<!tpu.dma_semaphore, #tpu.memory_space<semaphore_mem>>)
      %dma_wait3A = arith.constant 0 : i32
      %dma_wait3A_21 = arith.constant 0 : i32
      %dma_wait3A_22 = tpu.memref_slice %arg4[%add3A, %dma_wait3A, %dma_wait3A_21] : memref<32x79x128xi32, #tpu.memory_space<hbm>> -> memref<1x79x128xi32, #tpu.memory_space<hbm>>
      %dma_wait3A_23 = tpu.memref_squeeze %dma_wait3A_22 : memref<1x79x128xi32, #tpu.memory_space<hbm>> -> memref<79x128xi32, #tpu.memory_space<hbm>>
      %dma_wait3A_24 = arith.constant 0 : i32
      %dma_wait3A_25 = arith.constant 0 : i32
      %dma_wait3A_26 = tpu.memref_slice %arg4[%add3A, %dma_wait3A_24, %dma_wait3A_25] : memref<32x79x128xi32, #tpu.memory_space<hbm>> -> memref<1x79x128xi32, #tpu.memory_space<hbm>>
      %dma_wait3A_27 = tpu.memref_squeeze %dma_wait3A_26 : memref<1x79x128xi32, #tpu.memory_space<hbm>> -> memref<79x128xi32, #tpu.memory_space<hbm>>
      tpu.wait_dma2 semaphore(%run_scoped3A : memref<!tpu.dma_semaphore, #tpu.memory_space<semaphore_mem>>) src(%dma_wait3A_27 : memref<79x128xi32, #tpu.memory_space<hbm>>) dst(%arg8 : memref<79x128xi32, #tpu.memory_space<vmem>>)
      tpu.yield
    }) : () -> ()
    %barrier3A = arith.constant 0 : index
    tpu.barrier barrier_id(%barrier3A)
    %scan3A = arith.constant 0 : i32
    %scan3A_3 = arith.constant 0 : i32
    %scan3A_4 = arith.constant 79 : i32
    %scan3A_5 = arith.addi %scan3A_3, %scan3A_4 : i32
    %scan3A_6 = arith.constant 1 : i32
    %scan3A_7 = scf.for %scan3A_14 = %scan3A_3 to %scan3A_5 step %scan3A_6 iter_args(%scan3A_15 = %scan3A) -> (i32)  : i32 {
      %dma_start3A = arith.constant 0 : i32
      %dma_start3A_16 = tpu.memref_slice %arg7[%scan3A_14, %dma_start3A] : memref<79x128xi32, #tpu.memory_space<vmem>> -> memref<1x128xi32, #tpu.memory_space<vmem>>
      %dma_start3A_17 = tpu.memref_squeeze %dma_start3A_16 : memref<1x128xi32, #tpu.memory_space<vmem>> -> memref<128xi32, #tpu.memory_space<vmem>>
      %dma_start3A_18 = arith.constant 0 : i32
      %dma_start3A_19 = arith.constant 0 : i32
      %dma_start3A_20 = tpu.memref_slice %arg2[%dma_start3A_18, %dma_start3A_19] : memref<10240x128xf32, #tpu.memory_space<hbm>> -> memref<10240x128xf32, #tpu.memory_space<hbm>>
      tpu.enqueue_indirect_dma source(%dma_start3A_20 : memref<10240x128xf32, #tpu.memory_space<hbm>>) target(%arg9 : memref<128x128xf32, #tpu.memory_space<vmem>>) offsets(%dma_start3A_17 : memref<128xi32, #tpu.memory_space<vmem>>) semaphore(%arg11 : memref<!tpu.dma_semaphore, #tpu.memory_space<semaphore_mem>>)
      %dma_wait3A = arith.constant 0 : i32
      %dma_wait3A_21 = tpu.memref_slice %arg7[%scan3A_14, %dma_wait3A] : memref<79x128xi32, #tpu.memory_space<vmem>> -> memref<1x128xi32, #tpu.memory_space<vmem>>
      %dma_wait3A_22 = tpu.memref_squeeze %dma_wait3A_21 : memref<1x128xi32, #tpu.memory_space<vmem>> -> memref<128xi32, #tpu.memory_space<vmem>>
      %dma_wait3A_23 = arith.constant 0 : i32
      %dma_wait3A_24 = arith.constant 0 : i32
      %dma_wait3A_25 = tpu.memref_slice %arg2[%dma_wait3A_23, %dma_wait3A_24] : memref<10240x128xf32, #tpu.memory_space<hbm>> -> memref<10240x128xf32, #tpu.memory_space<hbm>>
      tpu.wait_indirect_dma semaphore(%arg11 : memref<!tpu.dma_semaphore, #tpu.memory_space<semaphore_mem>>) src(%dma_wait3A_25 : memref<10240x128xf32, #tpu.memory_space<hbm>>) dst(%arg9 : memref<128x128xf32, #tpu.memory_space<vmem>>)
      "tpu.region"() ({
        %run_scoped3A = tpu.sem_alloc : memref<!tpu.dma_semaphore, #tpu.memory_space<semaphore_mem>>
        %dma_start3A_27 = arith.constant 0 : i32
        %dma_start3A_28 = tpu.memref_slice %arg8[%scan3A_14, %dma_start3A_27] : memref<79x128xi32, #tpu.memory_space<vmem>> -> memref<1x128xi32, #tpu.memory_space<vmem>>
        %dma_start3A_29 = tpu.memref_squeeze %dma_start3A_28 : memref<1x128xi32, #tpu.memory_space<vmem>> -> memref<128xi32, #tpu.memory_space<vmem>>
        %dma_start3A_30 = arith.constant 0 : i32
        %dma_start3A_31 = arith.constant 0 : i32
        %dma_start3A_32 = tpu.memref_slice %arg10[%dma_start3A_30, %dma_start3A_31] : memref<10240x128xf32, #tpu.memory_space<vmem_shared>> -> memref<10240x128xf32, #tpu.memory_space<vmem_shared>>
        tpu.enqueue_indirect_dma source(%arg9 : memref<128x128xf32, #tpu.memory_space<vmem>>) target(%dma_start3A_32 : memref<10240x128xf32, #tpu.memory_space<vmem_shared>>) offsets(%dma_start3A_29 : memref<128xi32, #tpu.memory_space<vmem>>) semaphore(%run_scoped3A : memref<!tpu.dma_semaphore, #tpu.memory_space<semaphore_mem>>) {add = true}
        %dma_wait3A_33 = arith.constant 0 : i32
        %dma_wait3A_34 = tpu.memref_slice %arg8[%scan3A_14, %dma_wait3A_33] : memref<79x128xi32, #tpu.memory_space<vmem>> -> memref<1x128xi32, #tpu.memory_space<vmem>>
        %dma_wait3A_35 = tpu.memref_squeeze %dma_wait3A_34 : memref<1x128xi32, #tpu.memory_space<vmem>> -> memref<128xi32, #tpu.memory_space<vmem>>
        %dma_wait3A_36 = arith.constant 0 : i32
        %dma_wait3A_37 = arith.constant 0 : i32
        %dma_wait3A_38 = tpu.memref_slice %arg10[%dma_wait3A_36, %dma_wait3A_37] : memref<10240x128xf32, #tpu.memory_space<vmem_shared>> -> memref<10240x128xf32, #tpu.memory_space<vmem_shared>>
        tpu.wait_indirect_dma semaphore(%run_scoped3A : memref<!tpu.dma_semaphore, #tpu.memory_space<semaphore_mem>>) src(%arg9 : memref<128x128xf32, #tpu.memory_space<vmem>>) dst(%dma_wait3A_38 : memref<10240x128xf32, #tpu.memory_space<vmem_shared>>)
        tpu.yield
      }) : () -> ()
      %scan3A_26 = arith.constant 0 : i32
      scf.yield %scan3A_26 : i32
    }
    %scan3A_8 = arith.constant 79 : i32
    %barrier3A_9 = arith.constant 0 : index
    tpu.barrier barrier_id(%barrier3A_9)
    %mul3A_10 = arith.constant 640 : i32
    %mul3A_11 = arith.muli %arg1, %mul3A_10 : i32
    %mul3A_12 = arith.constant 640 : i32
    %mul3A_13 = arith.muli %arg1, %mul3A_12 : i32
    "tpu.region"() ({
      %run_scoped3A = tpu.sem_alloc : memref<!tpu.dma_semaphore, #tpu.memory_space<semaphore_mem>>
      %dma_start3A = arith.constant 0 : i32
      %dma_start3A_14 = tpu.memref_slice %arg6[%arg0, %mul3A_13, %dma_start3A] : memref<2x10240x128xf32, #tpu.memory_space<hbm>> -> memref<1x640x128xf32, #tpu.memory_space<hbm>>
      %dma_start3A_15 = tpu.memref_squeeze %dma_start3A_14 : memref<1x640x128xf32, #tpu.memory_space<hbm>> -> memref<640x128xf32, #tpu.memory_space<hbm>>
      %dma_start3A_16 = arith.constant 0 : i32
      %dma_start3A_17 = tpu.memref_slice %arg10[%mul3A_11, %dma_start3A_16] : memref<10240x128xf32, #tpu.memory_space<vmem_shared>> -> memref<640x128xf32, #tpu.memory_space<vmem_shared>>
      tpu.enqueue_dma source(%dma_start3A_17 : memref<640x128xf32, #tpu.memory_space<vmem_shared>>) target(%dma_start3A_15 : memref<640x128xf32, #tpu.memory_space<hbm>>) target_semaphore(%run_scoped3A : memref<!tpu.dma_semaphore, #tpu.memory_space<semaphore_mem>>)
      %dma_wait3A = arith.constant 0 : i32
      %dma_wait3A_18 = tpu.memref_slice %arg6[%arg0, %mul3A_13, %dma_wait3A] : memref<2x10240x128xf32, #tpu.memory_space<hbm>> -> memref<1x640x128xf32, #tpu.memory_space<hbm>>
      %dma_wait3A_19 = tpu.memref_squeeze %dma_wait3A_18 : memref<1x640x128xf32, #tpu.memory_space<hbm>> -> memref<640x128xf32, #tpu.memory_space<hbm>>
      %dma_wait3A_20 = arith.constant 0 : i32
      %dma_wait3A_21 = tpu.memref_slice %arg10[%mul3A_11, %dma_wait3A_20] : memref<10240x128xf32, #tpu.memory_space<vmem_shared>> -> memref<640x128xf32, #tpu.memory_space<vmem_shared>>
      tpu.wait_dma2 semaphore(%run_scoped3A : memref<!tpu.dma_semaphore, #tpu.memory_space<semaphore_mem>>) src(%dma_wait3A_21 : memref<640x128xf32, #tpu.memory_space<vmem_shared>>) dst(%dma_wait3A_19 : memref<640x128xf32, #tpu.memory_space<hbm>>)
      tpu.yield
    }) : () -> ()
    return
  }
}

#map = affine_map<(d0, d1) -> (0, 0, 0)>
#map1 = affine_map<(d0, d1) -> (0)>
module attributes {stable_mosaic.version = 14 : i64} {
  func.func @_degree_body(%arg0: i32, %arg1: i32, %arg2: memref<32x79x128xi32, #tpu.memory_space<hbm>>, %arg3: memref<640xf32, #tpu.memory_space<hbm>>, %arg4: memref<20480xf32, #tpu.memory_space<hbm>>, %arg5: memref<79x128xi32, #tpu.memory_space<vmem>>, %arg6: memref<128xf32, #tpu.memory_space<vmem>>, %arg7: memref<10240xf32, #tpu.memory_space<vmem_shared>>, %arg8: memref<!tpu.dma_semaphore, #tpu.memory_space<semaphore_mem>>) attributes {dimension_semantics = [#tpu.dimension_semantics<core_parallel>, #tpu.dimension_semantics<subcore_parallel>], iteration_bounds = array<i64: 2, 16>, scalar_prefetch = 0 : i64, scratch_operands = 4 : i64, tpu.core_type = #tpu.core_type<sc_vector_subcore>, window_params = [{transform_indices = #map}, {transform_indices = #map1}, {transform_indices = #map1}]} {
    %mul3A = arith.constant 2 : i32
    %mul3A_0 = arith.muli %arg1, %mul3A : i32
    %add3A = arith.addi %mul3A_0, %arg0 : i32
    %mul3A_1 = arith.constant 640 : i32
    %mul3A_2 = arith.muli %arg1, %mul3A_1 : i32
    "tpu.region"() ({
      %run_scoped3A = tpu.sem_alloc : memref<!tpu.dma_semaphore, #tpu.memory_space<semaphore_mem>>
      %dma_start3A = tpu.memref_slice %arg7[%mul3A_2] : memref<10240xf32, #tpu.memory_space<vmem_shared>> -> memref<640xf32, #tpu.memory_space<vmem_shared>>
      tpu.enqueue_dma source(%arg3 : memref<640xf32, #tpu.memory_space<hbm>>) target(%dma_start3A : memref<640xf32, #tpu.memory_space<vmem_shared>>) target_semaphore(%run_scoped3A : memref<!tpu.dma_semaphore, #tpu.memory_space<semaphore_mem>>)
      %dma_wait3A = tpu.memref_slice %arg7[%mul3A_2] : memref<10240xf32, #tpu.memory_space<vmem_shared>> -> memref<640xf32, #tpu.memory_space<vmem_shared>>
      tpu.wait_dma2 semaphore(%run_scoped3A : memref<!tpu.dma_semaphore, #tpu.memory_space<semaphore_mem>>) src(%arg3 : memref<640xf32, #tpu.memory_space<hbm>>) dst(%dma_wait3A : memref<640xf32, #tpu.memory_space<vmem_shared>>)
      tpu.yield
    }) : () -> ()
    "tpu.region"() ({
      %run_scoped3A = tpu.sem_alloc : memref<!tpu.dma_semaphore, #tpu.memory_space<semaphore_mem>>
      %dma_start3A = arith.constant 0 : i32
      %dma_start3A_63 = arith.constant 0 : i32
      %dma_start3A_64 = tpu.memref_slice %arg2[%add3A, %dma_start3A, %dma_start3A_63] : memref<32x79x128xi32, #tpu.memory_space<hbm>> -> memref<1x79x128xi32, #tpu.memory_space<hbm>>
      %dma_start3A_65 = tpu.memref_squeeze %dma_start3A_64 : memref<1x79x128xi32, #tpu.memory_space<hbm>> -> memref<79x128xi32, #tpu.memory_space<hbm>>
      %dma_start3A_66 = arith.constant 0 : i32
      %dma_start3A_67 = arith.constant 0 : i32
      %dma_start3A_68 = tpu.memref_slice %arg2[%add3A, %dma_start3A_66, %dma_start3A_67] : memref<32x79x128xi32, #tpu.memory_space<hbm>> -> memref<1x79x128xi32, #tpu.memory_space<hbm>>
      %dma_start3A_69 = tpu.memref_squeeze %dma_start3A_68 : memref<1x79x128xi32, #tpu.memory_space<hbm>> -> memref<79x128xi32, #tpu.memory_space<hbm>>
      tpu.enqueue_dma source(%dma_start3A_69 : memref<79x128xi32, #tpu.memory_space<hbm>>) target(%arg5 : memref<79x128xi32, #tpu.memory_space<vmem>>) target_semaphore(%run_scoped3A : memref<!tpu.dma_semaphore, #tpu.memory_space<semaphore_mem>>)
      %dma_wait3A = arith.constant 0 : i32
      %dma_wait3A_70 = arith.constant 0 : i32
      %dma_wait3A_71 = tpu.memref_slice %arg2[%add3A, %dma_wait3A, %dma_wait3A_70] : memref<32x79x128xi32, #tpu.memory_space<hbm>> -> memref<1x79x128xi32, #tpu.memory_space<hbm>>
      %dma_wait3A_72 = tpu.memref_squeeze %dma_wait3A_71 : memref<1x79x128xi32, #tpu.memory_space<hbm>> -> memref<79x128xi32, #tpu.memory_space<hbm>>
      %dma_wait3A_73 = arith.constant 0 : i32
      %dma_wait3A_74 = arith.constant 0 : i32
      %dma_wait3A_75 = tpu.memref_slice %arg2[%add3A, %dma_wait3A_73, %dma_wait3A_74] : memref<32x79x128xi32, #tpu.memory_space<hbm>> -> memref<1x79x128xi32, #tpu.memory_space<hbm>>
      %dma_wait3A_76 = tpu.memref_squeeze %dma_wait3A_75 : memref<1x79x128xi32, #tpu.memory_space<hbm>> -> memref<79x128xi32, #tpu.memory_space<hbm>>
      tpu.wait_dma2 semaphore(%run_scoped3A : memref<!tpu.dma_semaphore, #tpu.memory_space<semaphore_mem>>) src(%dma_wait3A_76 : memref<79x128xi32, #tpu.memory_space<hbm>>) dst(%arg5 : memref<79x128xi32, #tpu.memory_space<vmem>>)
      tpu.yield
    }) : () -> ()
    %broadcast_in_dim3A = arith.constant 1.000000e+00 : f32
    %broadcast_in_dim3A_3 = vector.broadcast %broadcast_in_dim3A : f32 to vector<16xf32>
    %swap3A = arith.constant 0 : index
    %swap3A_4 = tpu.vector_load %arg6[%swap3A] {strides = array<i32>} : memref<128xf32, #tpu.memory_space<vmem>>, vector<16xf32>,
    %swap3A_5 = vector.shape_cast %swap3A_4 : vector<16xf32> to vector<16xf32>
    %swap3A_6 = vector.shape_cast %broadcast_in_dim3A_3 : vector<16xf32> to vector<16xf32>
    tpu.vector_store %arg6[%swap3A], %swap3A_6 {strides = array<i32>} : memref<128xf32, #tpu.memory_space<vmem>>, vector<16xf32>,
    %broadcast_in_dim3A_7 = arith.constant 1.000000e+00 : f32
    %broadcast_in_dim3A_8 = vector.broadcast %broadcast_in_dim3A_7 : f32 to vector<16xf32>
    %swap3A_9 = arith.constant 16 : index
    %swap3A_10 = tpu.vector_load %arg6[%swap3A_9] {strides = array<i32>} : memref<128xf32, #tpu.memory_space<vmem>>, vector<16xf32>,
    %swap3A_11 = vector.shape_cast %swap3A_10 : vector<16xf32> to vector<16xf32>
    %swap3A_12 = vector.shape_cast %broadcast_in_dim3A_8 : vector<16xf32> to vector<16xf32>
    tpu.vector_store %arg6[%swap3A_9], %swap3A_12 {strides = array<i32>} : memref<128xf32, #tpu.memory_space<vmem>>, vector<16xf32>,
    %broadcast_in_dim3A_13 = arith.constant 1.000000e+00 : f32
    %broadcast_in_dim3A_14 = vector.broadcast %broadcast_in_dim3A_13 : f32 to vector<16xf32>
    %swap3A_15 = arith.constant 32 : index
    %swap3A_16 = tpu.vector_load %arg6[%swap3A_15] {strides = array<i32>} : memref<128xf32, #tpu.memory_space<vmem>>, vector<16xf32>,
    %swap3A_17 = vector.shape_cast %swap3A_16 : vector<16xf32> to vector<16xf32>
    %swap3A_18 = vector.shape_cast %broadcast_in_dim3A_14 : vector<16xf32> to vector<16xf32>
    tpu.vector_store %arg6[%swap3A_15], %swap3A_18 {strides = array<i32>} : memref<128xf32, #tpu.memory_space<vmem>>, vector<16xf32>,
    %broadcast_in_dim3A_19 = arith.constant 1.000000e+00 : f32
    %broadcast_in_dim3A_20 = vector.broadcast %broadcast_in_dim3A_19 : f32 to vector<16xf32>
    %swap3A_21 = arith.constant 48 : index
    %swap3A_22 = tpu.vector_load %arg6[%swap3A_21] {strides = array<i32>} : memref<128xf32, #tpu.memory_space<vmem>>, vector<16xf32>,
    %swap3A_23 = vector.shape_cast %swap3A_22 : vector<16xf32> to vector<16xf32>
    %swap3A_24 = vector.shape_cast %broadcast_in_dim3A_20 : vector<16xf32> to vector<16xf32>
    tpu.vector_store %arg6[%swap3A_21], %swap3A_24 {strides = array<i32>} : memref<128xf32, #tpu.memory_space<vmem>>, vector<16xf32>,
    %broadcast_in_dim3A_25 = arith.constant 1.000000e+00 : f32
    %broadcast_in_dim3A_26 = vector.broadcast %broadcast_in_dim3A_25 : f32 to vector<16xf32>
    %swap3A_27 = arith.constant 64 : index
    %swap3A_28 = tpu.vector_load %arg6[%swap3A_27] {strides = array<i32>} : memref<128xf32, #tpu.memory_space<vmem>>, vector<16xf32>,
    %swap3A_29 = vector.shape_cast %swap3A_28 : vector<16xf32> to vector<16xf32>
    %swap3A_30 = vector.shape_cast %broadcast_in_dim3A_26 : vector<16xf32> to vector<16xf32>
    tpu.vector_store %arg6[%swap3A_27], %swap3A_30 {strides = array<i32>} : memref<128xf32, #tpu.memory_space<vmem>>, vector<16xf32>,
    %broadcast_in_dim3A_31 = arith.constant 1.000000e+00 : f32
    %broadcast_in_dim3A_32 = vector.broadcast %broadcast_in_dim3A_31 : f32 to vector<16xf32>
    %swap3A_33 = arith.constant 80 : index
    %swap3A_34 = tpu.vector_load %arg6[%swap3A_33] {strides = array<i32>} : memref<128xf32, #tpu.memory_space<vmem>>, vector<16xf32>,
    %swap3A_35 = vector.shape_cast %swap3A_34 : vector<16xf32> to vector<16xf32>
    %swap3A_36 = vector.shape_cast %broadcast_in_dim3A_32 : vector<16xf32> to vector<16xf32>
    tpu.vector_store %arg6[%swap3A_33], %swap3A_36 {strides = array<i32>} : memref<128xf32, #tpu.memory_space<vmem>>, vector<16xf32>,
    %broadcast_in_dim3A_37 = arith.constant 1.000000e+00 : f32
    %broadcast_in_dim3A_38 = vector.broadcast %broadcast_in_dim3A_37 : f32 to vector<16xf32>
    %swap3A_39 = arith.constant 96 : index
    %swap3A_40 = tpu.vector_load %arg6[%swap3A_39] {strides = array<i32>} : memref<128xf32, #tpu.memory_space<vmem>>, vector<16xf32>,
    %swap3A_41 = vector.shape_cast %swap3A_40 : vector<16xf32> to vector<16xf32>
    %swap3A_42 = vector.shape_cast %broadcast_in_dim3A_38 : vector<16xf32> to vector<16xf32>
    tpu.vector_store %arg6[%swap3A_39], %swap3A_42 {strides = array<i32>} : memref<128xf32, #tpu.memory_space<vmem>>, vector<16xf32>,
    %broadcast_in_dim3A_43 = arith.constant 1.000000e+00 : f32
    %broadcast_in_dim3A_44 = vector.broadcast %broadcast_in_dim3A_43 : f32 to vector<16xf32>
    %swap3A_45 = arith.constant 112 : index
    %swap3A_46 = tpu.vector_load %arg6[%swap3A_45] {strides = array<i32>} : memref<128xf32, #tpu.memory_space<vmem>>, vector<16xf32>,
    %swap3A_47 = vector.shape_cast %swap3A_46 : vector<16xf32> to vector<16xf32>
    %swap3A_48 = vector.shape_cast %broadcast_in_dim3A_44 : vector<16xf32> to vector<16xf32>
    tpu.vector_store %arg6[%swap3A_45], %swap3A_48 {strides = array<i32>} : memref<128xf32, #tpu.memory_space<vmem>>, vector<16xf32>,
    %barrier3A = arith.constant 0 : index
    tpu.barrier barrier_id(%barrier3A)
    %scan3A = arith.constant 0 : i32
    %scan3A_49 = arith.constant 0 : i32
    %scan3A_50 = arith.constant 79 : i32
    %scan3A_51 = arith.addi %scan3A_49, %scan3A_50 : i32
    %scan3A_52 = arith.constant 1 : i32
    %scan3A_53 = scf.for %scan3A_63 = %scan3A_49 to %scan3A_51 step %scan3A_52 iter_args(%scan3A_64 = %scan3A) -> (i32)  : i32 {
      "tpu.region"() ({
        %run_scoped3A = tpu.sem_alloc : memref<!tpu.dma_semaphore, #tpu.memory_space<semaphore_mem>>
        %dma_start3A = arith.constant 0 : i32
        %dma_start3A_66 = tpu.memref_slice %arg5[%scan3A_63, %dma_start3A] : memref<79x128xi32, #tpu.memory_space<vmem>> -> memref<1x128xi32, #tpu.memory_space<vmem>>
        %dma_start3A_67 = tpu.memref_squeeze %dma_start3A_66 : memref<1x128xi32, #tpu.memory_space<vmem>> -> memref<128xi32, #tpu.memory_space<vmem>>
        %dma_start3A_68 = arith.constant 0 : i32
        %dma_start3A_69 = tpu.memref_slice %arg7[%dma_start3A_68] : memref<10240xf32, #tpu.memory_space<vmem_shared>> -> memref<10240xf32, #tpu.memory_space<vmem_shared>>
        tpu.enqueue_indirect_dma source(%arg6 : memref<128xf32, #tpu.memory_space<vmem>>) target(%dma_start3A_69 : memref<10240xf32, #tpu.memory_space<vmem_shared>>) offsets(%dma_start3A_67 : memref<128xi32, #tpu.memory_space<vmem>>) semaphore(%run_scoped3A : memref<!tpu.dma_semaphore, #tpu.memory_space<semaphore_mem>>) {add = true}
        %dma_wait3A = arith.constant 0 : i32
        %dma_wait3A_70 = tpu.memref_slice %arg5[%scan3A_63, %dma_wait3A] : memref<79x128xi32, #tpu.memory_space<vmem>> -> memref<1x128xi32, #tpu.memory_space<vmem>>
        %dma_wait3A_71 = tpu.memref_squeeze %dma_wait3A_70 : memref<1x128xi32, #tpu.memory_space<vmem>> -> memref<128xi32, #tpu.memory_space<vmem>>
        %dma_wait3A_72 = arith.constant 0 : i32
        %dma_wait3A_73 = tpu.memref_slice %arg7[%dma_wait3A_72] : memref<10240xf32, #tpu.memory_space<vmem_shared>> -> memref<10240xf32, #tpu.memory_space<vmem_shared>>
        tpu.wait_indirect_dma semaphore(%run_scoped3A : memref<!tpu.dma_semaphore, #tpu.memory_space<semaphore_mem>>) src(%arg6 : memref<128xf32, #tpu.memory_space<vmem>>) dst(%dma_wait3A_73 : memref<10240xf32, #tpu.memory_space<vmem_shared>>)
        tpu.yield
      }) : () -> ()
      %scan3A_65 = arith.constant 0 : i32
      scf.yield %scan3A_65 : i32
    }
    %scan3A_54 = arith.constant 79 : i32
    %barrier3A_55 = arith.constant 0 : index
    tpu.barrier barrier_id(%barrier3A_55)
    %mul3A_56 = arith.constant 640 : i32
    %mul3A_57 = arith.muli %arg1, %mul3A_56 : i32
    %mul3A_58 = arith.constant 10240 : i32
    %mul3A_59 = arith.muli %arg0, %mul3A_58 : i32
    %mul3A_60 = arith.constant 640 : i32
    %mul3A_61 = arith.muli %arg1, %mul3A_60 : i32
    %add3A_62 = arith.addi %mul3A_59, %mul3A_61 : i32
    "tpu.region"() ({
      %run_scoped3A = tpu.sem_alloc : memref<!tpu.dma_semaphore, #tpu.memory_space<semaphore_mem>>
      %dma_start3A = tpu.memref_slice %arg4[%add3A_62] : memref<20480xf32, #tpu.memory_space<hbm>> -> memref<640xf32, #tpu.memory_space<hbm>>
      %dma_start3A_63 = tpu.memref_slice %arg7[%mul3A_57] : memref<10240xf32, #tpu.memory_space<vmem_shared>> -> memref<640xf32, #tpu.memory_space<vmem_shared>>
      tpu.enqueue_dma source(%dma_start3A_63 : memref<640xf32, #tpu.memory_space<vmem_shared>>) target(%dma_start3A : memref<640xf32, #tpu.memory_space<hbm>>) target_semaphore(%run_scoped3A : memref<!tpu.dma_semaphore, #tpu.memory_space<semaphore_mem>>)
      %dma_wait3A = tpu.memref_slice %arg4[%add3A_62] : memref<20480xf32, #tpu.memory_space<hbm>> -> memref<640xf32, #tpu.memory_space<hbm>>
      %dma_wait3A_64 = tpu.memref_slice %arg7[%mul3A_57] : memref<10240xf32, #tpu.memory_space<vmem_shared>> -> memref<640xf32, #tpu.memory_space<vmem_shared>>
      tpu.wait_dma2 semaphore(%run_scoped3A : memref<!tpu.dma_semaphore, #tpu.memory_space<semaphore_mem>>) src(%dma_wait3A_64 : memref<640xf32, #tpu.memory_space<vmem_shared>>) dst(%dma_wait3A : memref<640xf32, #tpu.memory_space<hbm>>)
      tpu.yield
    }) : () -> ()
    return
  }
}

#map = affine_map<(d0, d1) -> (0, 0)>
#map1 = affine_map<(d0, d1) -> (0, 0, 0)>
module attributes {stable_mosaic.version = 14 : i64} {
  func.func @_agg_body(%arg0: i32, %arg1: i32, %arg2: memref<10240x128xf32, #tpu.memory_space<hbm>>, %arg3: memref<32x79x128xi32, #tpu.memory_space<hbm>>, %arg4: memref<32x79x128xi32, #tpu.memory_space<hbm>>, %arg5: memref<640x128xf32, #tpu.memory_space<hbm>>, %arg6: memref<2x10240x128xf32, #tpu.memory_space<hbm>>, %arg7: memref<79x128xi32, #tpu.memory_space<vmem>>, %arg8: memref<79x128xi32, #tpu.memory_space<vmem>>, %arg9: memref<128x128xf32, #tpu.memory_space<vmem>>, %arg10: memref<10240x128xf32, #tpu.memory_space<vmem_shared>>, %arg11: memref<!tpu.dma_semaphore, #tpu.memory_space<semaphore_mem>>) attributes {dimension_semantics = [#tpu.dimension_semantics<core_parallel>, #tpu.dimension_semantics<subcore_parallel>], iteration_bounds = array<i64: 2, 16>, scalar_prefetch = 0 : i64, scratch_operands = 5 : i64, tpu.core_type = #tpu.core_type<sc_vector_subcore>, window_params = [{transform_indices = #map}, {transform_indices = #map1}, {transform_indices = #map1}, {transform_indices = #map}, {transform_indices = #map1}]} {
    %mul3A = arith.constant 2 : i32
    %mul3A_0 = arith.muli %arg1, %mul3A : i32
    %add3A = arith.addi %mul3A_0, %arg0 : i32
    %mul3A_1 = arith.constant 640 : i32
    %mul3A_2 = arith.muli %arg1, %mul3A_1 : i32
    "tpu.region"() ({
      %run_scoped3A = tpu.sem_alloc : memref<!tpu.dma_semaphore, #tpu.memory_space<semaphore_mem>>
      %dma_start3A = arith.constant 0 : i32
      %dma_start3A_14 = tpu.memref_slice %arg10[%mul3A_2, %dma_start3A] : memref<10240x128xf32, #tpu.memory_space<vmem_shared>> -> memref<640x128xf32, #tpu.memory_space<vmem_shared>>
      tpu.enqueue_dma source(%arg5 : memref<640x128xf32, #tpu.memory_space<hbm>>) target(%dma_start3A_14 : memref<640x128xf32, #tpu.memory_space<vmem_shared>>) target_semaphore(%run_scoped3A : memref<!tpu.dma_semaphore, #tpu.memory_space<semaphore_mem>>)
      %dma_wait3A = arith.constant 0 : i32
      %dma_wait3A_15 = tpu.memref_slice %arg10[%mul3A_2, %dma_wait3A] : memref<10240x128xf32, #tpu.memory_space<vmem_shared>> -> memref<640x128xf32, #tpu.memory_space<vmem_shared>>
      tpu.wait_dma2 semaphore(%run_scoped3A : memref<!tpu.dma_semaphore, #tpu.memory_space<semaphore_mem>>) src(%arg5 : memref<640x128xf32, #tpu.memory_space<hbm>>) dst(%dma_wait3A_15 : memref<640x128xf32, #tpu.memory_space<vmem_shared>>)
      tpu.yield
    }) : () -> ()
    "tpu.region"() ({
      %run_scoped3A = tpu.sem_alloc : memref<!tpu.dma_semaphore, #tpu.memory_space<semaphore_mem>>
      %dma_start3A = arith.constant 0 : i32
      %dma_start3A_14 = arith.constant 0 : i32
      %dma_start3A_15 = tpu.memref_slice %arg3[%add3A, %dma_start3A, %dma_start3A_14] : memref<32x79x128xi32, #tpu.memory_space<hbm>> -> memref<1x79x128xi32, #tpu.memory_space<hbm>>
      %dma_start3A_16 = tpu.memref_squeeze %dma_start3A_15 : memref<1x79x128xi32, #tpu.memory_space<hbm>> -> memref<79x128xi32, #tpu.memory_space<hbm>>
      %dma_start3A_17 = arith.constant 0 : i32
      %dma_start3A_18 = arith.constant 0 : i32
      %dma_start3A_19 = tpu.memref_slice %arg3[%add3A, %dma_start3A_17, %dma_start3A_18] : memref<32x79x128xi32, #tpu.memory_space<hbm>> -> memref<1x79x128xi32, #tpu.memory_space<hbm>>
      %dma_start3A_20 = tpu.memref_squeeze %dma_start3A_19 : memref<1x79x128xi32, #tpu.memory_space<hbm>> -> memref<79x128xi32, #tpu.memory_space<hbm>>
      tpu.enqueue_dma source(%dma_start3A_20 : memref<79x128xi32, #tpu.memory_space<hbm>>) target(%arg7 : memref<79x128xi32, #tpu.memory_space<vmem>>) target_semaphore(%run_scoped3A : memref<!tpu.dma_semaphore, #tpu.memory_space<semaphore_mem>>)
      %dma_wait3A = arith.constant 0 : i32
      %dma_wait3A_21 = arith.constant 0 : i32
      %dma_wait3A_22 = tpu.memref_slice %arg3[%add3A, %dma_wait3A, %dma_wait3A_21] : memref<32x79x128xi32, #tpu.memory_space<hbm>> -> memref<1x79x128xi32, #tpu.memory_space<hbm>>
      %dma_wait3A_23 = tpu.memref_squeeze %dma_wait3A_22 : memref<1x79x128xi32, #tpu.memory_space<hbm>> -> memref<79x128xi32, #tpu.memory_space<hbm>>
      %dma_wait3A_24 = arith.constant 0 : i32
      %dma_wait3A_25 = arith.constant 0 : i32
      %dma_wait3A_26 = tpu.memref_slice %arg3[%add3A, %dma_wait3A_24, %dma_wait3A_25] : memref<32x79x128xi32, #tpu.memory_space<hbm>> -> memref<1x79x128xi32, #tpu.memory_space<hbm>>
      %dma_wait3A_27 = tpu.memref_squeeze %dma_wait3A_26 : memref<1x79x128xi32, #tpu.memory_space<hbm>> -> memref<79x128xi32, #tpu.memory_space<hbm>>
      tpu.wait_dma2 semaphore(%run_scoped3A : memref<!tpu.dma_semaphore, #tpu.memory_space<semaphore_mem>>) src(%dma_wait3A_27 : memref<79x128xi32, #tpu.memory_space<hbm>>) dst(%arg7 : memref<79x128xi32, #tpu.memory_space<vmem>>)
      tpu.yield
    }) : () -> ()
    "tpu.region"() ({
      %run_scoped3A = tpu.sem_alloc : memref<!tpu.dma_semaphore, #tpu.memory_space<semaphore_mem>>
      %dma_start3A = arith.constant 0 : i32
      %dma_start3A_14 = arith.constant 0 : i32
      %dma_start3A_15 = tpu.memref_slice %arg4[%add3A, %dma_start3A, %dma_start3A_14] : memref<32x79x128xi32, #tpu.memory_space<hbm>> -> memref<1x79x128xi32, #tpu.memory_space<hbm>>
      %dma_start3A_16 = tpu.memref_squeeze %dma_start3A_15 : memref<1x79x128xi32, #tpu.memory_space<hbm>> -> memref<79x128xi32, #tpu.memory_space<hbm>>
      %dma_start3A_17 = arith.constant 0 : i32
      %dma_start3A_18 = arith.constant 0 : i32
      %dma_start3A_19 = tpu.memref_slice %arg4[%add3A, %dma_start3A_17, %dma_start3A_18] : memref<32x79x128xi32, #tpu.memory_space<hbm>> -> memref<1x79x128xi32, #tpu.memory_space<hbm>>
      %dma_start3A_20 = tpu.memref_squeeze %dma_start3A_19 : memref<1x79x128xi32, #tpu.memory_space<hbm>> -> memref<79x128xi32, #tpu.memory_space<hbm>>
      tpu.enqueue_dma source(%dma_start3A_20 : memref<79x128xi32, #tpu.memory_space<hbm>>) target(%arg8 : memref<79x128xi32, #tpu.memory_space<vmem>>) target_semaphore(%run_scoped3A : memref<!tpu.dma_semaphore, #tpu.memory_space<semaphore_mem>>)
      %dma_wait3A = arith.constant 0 : i32
      %dma_wait3A_21 = arith.constant 0 : i32
      %dma_wait3A_22 = tpu.memref_slice %arg4[%add3A, %dma_wait3A, %dma_wait3A_21] : memref<32x79x128xi32, #tpu.memory_space<hbm>> -> memref<1x79x128xi32, #tpu.memory_space<hbm>>
      %dma_wait3A_23 = tpu.memref_squeeze %dma_wait3A_22 : memref<1x79x128xi32, #tpu.memory_space<hbm>> -> memref<79x128xi32, #tpu.memory_space<hbm>>
      %dma_wait3A_24 = arith.constant 0 : i32
      %dma_wait3A_25 = arith.constant 0 : i32
      %dma_wait3A_26 = tpu.memref_slice %arg4[%add3A, %dma_wait3A_24, %dma_wait3A_25] : memref<32x79x128xi32, #tpu.memory_space<hbm>> -> memref<1x79x128xi32, #tpu.memory_space<hbm>>
      %dma_wait3A_27 = tpu.memref_squeeze %dma_wait3A_26 : memref<1x79x128xi32, #tpu.memory_space<hbm>> -> memref<79x128xi32, #tpu.memory_space<hbm>>
      tpu.wait_dma2 semaphore(%run_scoped3A : memref<!tpu.dma_semaphore, #tpu.memory_space<semaphore_mem>>) src(%dma_wait3A_27 : memref<79x128xi32, #tpu.memory_space<hbm>>) dst(%arg8 : memref<79x128xi32, #tpu.memory_space<vmem>>)
      tpu.yield
    }) : () -> ()
    %barrier3A = arith.constant 0 : index
    tpu.barrier barrier_id(%barrier3A)
    %scan3A = arith.constant 0 : i32
    %scan3A_3 = arith.constant 0 : i32
    %scan3A_4 = arith.constant 79 : i32
    %scan3A_5 = arith.addi %scan3A_3, %scan3A_4 : i32
    %scan3A_6 = arith.constant 1 : i32
    %scan3A_7 = scf.for %scan3A_14 = %scan3A_3 to %scan3A_5 step %scan3A_6 iter_args(%scan3A_15 = %scan3A) -> (i32)  : i32 {
      %dma_start3A = arith.constant 0 : i32
      %dma_start3A_16 = tpu.memref_slice %arg7[%scan3A_14, %dma_start3A] : memref<79x128xi32, #tpu.memory_space<vmem>> -> memref<1x128xi32, #tpu.memory_space<vmem>>
      %dma_start3A_17 = tpu.memref_squeeze %dma_start3A_16 : memref<1x128xi32, #tpu.memory_space<vmem>> -> memref<128xi32, #tpu.memory_space<vmem>>
      %dma_start3A_18 = arith.constant 0 : i32
      %dma_start3A_19 = arith.constant 0 : i32
      %dma_start3A_20 = tpu.memref_slice %arg2[%dma_start3A_18, %dma_start3A_19] : memref<10240x128xf32, #tpu.memory_space<hbm>> -> memref<10240x128xf32, #tpu.memory_space<hbm>>
      tpu.enqueue_indirect_dma source(%dma_start3A_20 : memref<10240x128xf32, #tpu.memory_space<hbm>>) target(%arg9 : memref<128x128xf32, #tpu.memory_space<vmem>>) offsets(%dma_start3A_17 : memref<128xi32, #tpu.memory_space<vmem>>) semaphore(%arg11 : memref<!tpu.dma_semaphore, #tpu.memory_space<semaphore_mem>>)
      %dma_wait3A = arith.constant 0 : i32
      %dma_wait3A_21 = tpu.memref_slice %arg7[%scan3A_14, %dma_wait3A] : memref<79x128xi32, #tpu.memory_space<vmem>> -> memref<1x128xi32, #tpu.memory_space<vmem>>
      %dma_wait3A_22 = tpu.memref_squeeze %dma_wait3A_21 : memref<1x128xi32, #tpu.memory_space<vmem>> -> memref<128xi32, #tpu.memory_space<vmem>>
      %dma_wait3A_23 = arith.constant 0 : i32
      %dma_wait3A_24 = arith.constant 0 : i32
      %dma_wait3A_25 = tpu.memref_slice %arg2[%dma_wait3A_23, %dma_wait3A_24] : memref<10240x128xf32, #tpu.memory_space<hbm>> -> memref<10240x128xf32, #tpu.memory_space<hbm>>
      tpu.wait_indirect_dma semaphore(%arg11 : memref<!tpu.dma_semaphore, #tpu.memory_space<semaphore_mem>>) src(%dma_wait3A_25 : memref<10240x128xf32, #tpu.memory_space<hbm>>) dst(%arg9 : memref<128x128xf32, #tpu.memory_space<vmem>>)
      "tpu.region"() ({
        %run_scoped3A = tpu.sem_alloc : memref<!tpu.dma_semaphore, #tpu.memory_space<semaphore_mem>>
        %dma_start3A_27 = arith.constant 0 : i32
        %dma_start3A_28 = tpu.memref_slice %arg8[%scan3A_14, %dma_start3A_27] : memref<79x128xi32, #tpu.memory_space<vmem>> -> memref<1x128xi32, #tpu.memory_space<vmem>>
        %dma_start3A_29 = tpu.memref_squeeze %dma_start3A_28 : memref<1x128xi32, #tpu.memory_space<vmem>> -> memref<128xi32, #tpu.memory_space<vmem>>
        %dma_start3A_30 = arith.constant 0 : i32
        %dma_start3A_31 = arith.constant 0 : i32
        %dma_start3A_32 = tpu.memref_slice %arg10[%dma_start3A_30, %dma_start3A_31] : memref<10240x128xf32, #tpu.memory_space<vmem_shared>> -> memref<10240x128xf32, #tpu.memory_space<vmem_shared>>
        tpu.enqueue_indirect_dma source(%arg9 : memref<128x128xf32, #tpu.memory_space<vmem>>) target(%dma_start3A_32 : memref<10240x128xf32, #tpu.memory_space<vmem_shared>>) offsets(%dma_start3A_29 : memref<128xi32, #tpu.memory_space<vmem>>) semaphore(%run_scoped3A : memref<!tpu.dma_semaphore, #tpu.memory_space<semaphore_mem>>) {add = true}
        %dma_wait3A_33 = arith.constant 0 : i32
        %dma_wait3A_34 = tpu.memref_slice %arg8[%scan3A_14, %dma_wait3A_33] : memref<79x128xi32, #tpu.memory_space<vmem>> -> memref<1x128xi32, #tpu.memory_space<vmem>>
        %dma_wait3A_35 = tpu.memref_squeeze %dma_wait3A_34 : memref<1x128xi32, #tpu.memory_space<vmem>> -> memref<128xi32, #tpu.memory_space<vmem>>
        %dma_wait3A_36 = arith.constant 0 : i32
        %dma_wait3A_37 = arith.constant 0 : i32
        %dma_wait3A_38 = tpu.memref_slice %arg10[%dma_wait3A_36, %dma_wait3A_37] : memref<10240x128xf32, #tpu.memory_space<vmem_shared>> -> memref<10240x128xf32, #tpu.memory_space<vmem_shared>>
        tpu.wait_indirect_dma semaphore(%run_scoped3A : memref<!tpu.dma_semaphore, #tpu.memory_space<semaphore_mem>>) src(%arg9 : memref<128x128xf32, #tpu.memory_space<vmem>>) dst(%dma_wait3A_38 : memref<10240x128xf32, #tpu.memory_space<vmem_shared>>)
        tpu.yield
      }) : () -> ()
      %scan3A_26 = arith.constant 0 : i32
      scf.yield %scan3A_26 : i32
    }
    %scan3A_8 = arith.constant 79 : i32
    %barrier3A_9 = arith.constant 0 : index
    tpu.barrier barrier_id(%barrier3A_9)
    %mul3A_10 = arith.constant 640 : i32
    %mul3A_11 = arith.muli %arg1, %mul3A_10 : i32
    %mul3A_12 = arith.constant 640 : i32
    %mul3A_13 = arith.muli %arg1, %mul3A_12 : i32
    "tpu.region"() ({
      %run_scoped3A = tpu.sem_alloc : memref<!tpu.dma_semaphore, #tpu.memory_space<semaphore_mem>>
      %dma_start3A = arith.constant 0 : i32
      %dma_start3A_14 = tpu.memref_slice %arg6[%arg0, %mul3A_13, %dma_start3A] : memref<2x10240x128xf32, #tpu.memory_space<hbm>> -> memref<1x640x128xf32, #tpu.memory_space<hbm>>
      %dma_start3A_15 = tpu.memref_squeeze %dma_start3A_14 : memref<1x640x128xf32, #tpu.memory_space<hbm>> -> memref<640x128xf32, #tpu.memory_space<hbm>>
      %dma_start3A_16 = arith.constant 0 : i32
      %dma_start3A_17 = tpu.memref_slice %arg10[%mul3A_11, %dma_start3A_16] : memref<10240x128xf32, #tpu.memory_space<vmem_shared>> -> memref<640x128xf32, #tpu.memory_space<vmem_shared>>
      tpu.enqueue_dma source(%dma_start3A_17 : memref<640x128xf32, #tpu.memory_space<vmem_shared>>) target(%dma_start3A_15 : memref<640x128xf32, #tpu.memory_space<hbm>>) target_semaphore(%run_scoped3A : memref<!tpu.dma_semaphore, #tpu.memory_space<semaphore_mem>>)
      %dma_wait3A = arith.constant 0 : i32
      %dma_wait3A_18 = tpu.memref_slice %arg6[%arg0, %mul3A_13, %dma_wait3A] : memref<2x10240x128xf32, #tpu.memory_space<hbm>> -> memref<1x640x128xf32, #tpu.memory_space<hbm>>
      %dma_wait3A_19 = tpu.memref_squeeze %dma_wait3A_18 : memref<1x640x128xf32, #tpu.memory_space<hbm>> -> memref<640x128xf32, #tpu.memory_space<hbm>>
      %dma_wait3A_20 = arith.constant 0 : i32
      %dma_wait3A_21 = tpu.memref_slice %arg10[%mul3A_11, %dma_wait3A_20] : memref<10240x128xf32, #tpu.memory_space<vmem_shared>> -> memref<640x128xf32, #tpu.memory_space<vmem_shared>>
      tpu.wait_dma2 semaphore(%run_scoped3A : memref<!tpu.dma_semaphore, #tpu.memory_space<semaphore_mem>>) src(%dma_wait3A_21 : memref<640x128xf32, #tpu.memory_space<vmem_shared>>) dst(%dma_wait3A_19 : memref<640x128xf32, #tpu.memory_space<hbm>>)
      tpu.yield
    }) : () -> ()
    return
  }
}

module attributes {stable_mosaic.version = 14 : i64} {
  func.func @_tc1_body(%arg0: memref<10240x128xf32, #tpu.memory_space<vmem>>, %arg1: memref<128x128xf32, #tpu.memory_space<vmem>>, %arg2: memref<10240x2xf32, #tpu.memory_space<vmem>>, %arg3: memref<10240x128xf32, #tpu.memory_space<vmem>>, %arg4: memref<10240x1xf32, #tpu.memory_space<vmem>>) attributes {dimension_semantics = [], scalar_prefetch = 0 : i64, scratch_operands = 0 : i64, tpu.core_type = #tpu.core_type<tc>} {
    %get3A = arith.constant 0 : index
    %get3A_0 = arith.constant 0 : index
    %get3A_1 = vector.load %arg2[%get3A, %get3A_0] : memref<10240x2xf32, #tpu.memory_space<vmem>>, vector<10240x1xf32>
    %add3A = arith.constant 1.000000e+00 : f32
    %add3A_2 = vector.broadcast %add3A : f32 to vector<10240x1xf32>
    %add3A_3 = arith.addf %add3A_2, %get3A_1 : vector<10240x1xf32>
    %get3A_4 = arith.constant 0 : index
    %get3A_5 = arith.constant 1 : index
    %get3A_6 = vector.load %arg2[%get3A_4, %get3A_5] : memref<10240x2xf32, #tpu.memory_space<vmem>>, vector<10240x1xf32>
    %add3A_7 = arith.addf %add3A_3, %get3A_6 : vector<10240x1xf32>
    %rsqrt3A = math.rsqrt %add3A_7 : vector<10240x1xf32>
    %swap3A = arith.constant 0 : index
    %swap3A_8 = arith.constant 0 : index
    %swap3A_9 = vector.load %arg4[%swap3A, %swap3A_8] : memref<10240x1xf32, #tpu.memory_space<vmem>>, vector<10240x1xf32>
    tpu.vector_store %arg4[%swap3A, %swap3A_8], %rsqrt3A {strides = array<i32>} : memref<10240x1xf32, #tpu.memory_space<vmem>>, vector<10240x1xf32>,
    %get3A_10 = arith.constant 0 : index
    %get3A_11 = arith.constant 0 : index
    %get3A_12 = vector.load %arg0[%get3A_10, %get3A_11] : memref<10240x128xf32, #tpu.memory_space<vmem>>, vector<10240x128xf32>
    %get3A_13 = arith.constant 0 : index
    %get3A_14 = arith.constant 0 : index
    %get3A_15 = vector.load %arg1[%get3A_13, %get3A_14] : memref<128x128xf32, #tpu.memory_space<vmem>>, vector<128x128xf32>
    %dot_general3A = arith.constant dense<0.000000e+00> : vector<10240x128xf32>
    %dot_general3A_16 = tpu.matmul %get3A_12, %get3A_15, %dot_general3A {dimension_numbers = #tpu.dot_dimension_numbers<[1], [0], [0], [1], [0, 0, 1, 1], [], []>, transpose_lhs_hint = false} : vector<10240x128xf32>, vector<128x128xf32>, vector<10240x128xf32> -> vector<10240x128xf32>
    %mul3A = vector.broadcast %rsqrt3A : vector<10240x1xf32> to vector<10240x128xf32>
    %mul3A_17 = arith.mulf %dot_general3A_16, %mul3A : vector<10240x128xf32>
    %swap3A_18 = arith.constant 0 : index
    %swap3A_19 = arith.constant 0 : index
    %swap3A_20 = vector.load %arg3[%swap3A_18, %swap3A_19] : memref<10240x128xf32, #tpu.memory_space<vmem>>, vector<10240x128xf32>
    tpu.vector_store %arg3[%swap3A_18, %swap3A_19], %mul3A_17 {strides = array<i32>} : memref<10240x128xf32, #tpu.memory_space<vmem>>, vector<10240x128xf32>,
    return
  }
}

module attributes {stable_mosaic.version = 14 : i64} {
  func.func @_tc2_body(%arg0: memref<2x10240x128xf32, #tpu.memory_space<vmem>>, %arg1: memref<10240x128xf32, #tpu.memory_space<vmem>>, %arg2: memref<10240x1xf32, #tpu.memory_space<vmem>>, %arg3: memref<1x128xf32, #tpu.memory_space<vmem>>, %arg4: memref<128x128xf32, #tpu.memory_space<vmem>>, %arg5: memref<10240x128xf32, #tpu.memory_space<vmem>>) attributes {dimension_semantics = [], scalar_prefetch = 0 : i64, scratch_operands = 0 : i64, tpu.core_type = #tpu.core_type<tc>} {
    %get3A = arith.constant 0 : index
    %get3A_0 = arith.constant 0 : index
    %get3A_1 = vector.load %arg2[%get3A, %get3A_0] : memref<10240x1xf32, #tpu.memory_space<vmem>>, vector<10240x1xf32>
    %get3A_2 = arith.constant 0 : index
    %get3A_3 = arith.constant 0 : index
    %get3A_4 = arith.constant 0 : index
    %get3A_5 = vector.load %arg0[%get3A_2, %get3A_3, %get3A_4] : memref<2x10240x128xf32, #tpu.memory_space<vmem>>, vector<1x10240x128xf32>
    %get3A_6 = vector.shape_cast %get3A_5 : vector<1x10240x128xf32> to vector<10240x128xf32>
    %get3A_7 = arith.constant 1 : index
    %get3A_8 = arith.constant 0 : index
    %get3A_9 = arith.constant 0 : index
    %get3A_10 = vector.load %arg0[%get3A_7, %get3A_8, %get3A_9] : memref<2x10240x128xf32, #tpu.memory_space<vmem>>, vector<1x10240x128xf32>
    %get3A_11 = vector.shape_cast %get3A_10 : vector<1x10240x128xf32> to vector<10240x128xf32>
    %add3A = arith.addf %get3A_6, %get3A_11 : vector<10240x128xf32>
    %get3A_12 = arith.constant 0 : index
    %get3A_13 = arith.constant 0 : index
    %get3A_14 = vector.load %arg1[%get3A_12, %get3A_13] : memref<10240x128xf32, #tpu.memory_space<vmem>>, vector<10240x128xf32>
    %add3A_15 = arith.addf %add3A, %get3A_14 : vector<10240x128xf32>
    %mul3A = vector.broadcast %get3A_1 : vector<10240x1xf32> to vector<10240x128xf32>
    %mul3A_16 = arith.mulf %mul3A, %add3A_15 : vector<10240x128xf32>
    %get3A_17 = arith.constant 0 : index
    %get3A_18 = arith.constant 0 : index
    %get3A_19 = vector.load %arg3[%get3A_17, %get3A_18] : memref<1x128xf32, #tpu.memory_space<vmem>>, vector<1x128xf32>
    %add3A_20 = vector.broadcast %get3A_19 : vector<1x128xf32> to vector<10240x128xf32>
    %add3A_21 = arith.addf %mul3A_16, %add3A_20 : vector<10240x128xf32>
    %max3A = arith.constant 0.000000e+00 : f32
    %max3A_22 = vector.broadcast %max3A : f32 to vector<10240x128xf32>
    %max3A_23 = arith.maximumf %add3A_21, %max3A_22 : vector<10240x128xf32>
    %get3A_24 = arith.constant 0 : index
    %get3A_25 = arith.constant 0 : index
    %get3A_26 = vector.load %arg4[%get3A_24, %get3A_25] : memref<128x128xf32, #tpu.memory_space<vmem>>, vector<128x128xf32>
    %dot_general3A = arith.constant dense<0.000000e+00> : vector<10240x128xf32>
    %dot_general3A_27 = tpu.matmul %max3A_23, %get3A_26, %dot_general3A {dimension_numbers = #tpu.dot_dimension_numbers<[1], [0], [0], [1], [0, 0, 1, 1], [], []>, transpose_lhs_hint = false} : vector<10240x128xf32>, vector<128x128xf32>, vector<10240x128xf32> -> vector<10240x128xf32>
    %mul3A_28 = vector.broadcast %get3A_1 : vector<10240x1xf32> to vector<10240x128xf32>
    %mul3A_29 = arith.mulf %dot_general3A_27, %mul3A_28 : vector<10240x128xf32>
    %swap3A = arith.constant 0 : index
    %swap3A_30 = arith.constant 0 : index
    %swap3A_31 = vector.load %arg5[%swap3A, %swap3A_30] : memref<10240x128xf32, #tpu.memory_space<vmem>>, vector<10240x128xf32>
    tpu.vector_store %arg5[%swap3A, %swap3A_30], %mul3A_29 {strides = array<i32>} : memref<10240x128xf32, #tpu.memory_space<vmem>>, vector<10240x128xf32>,
    return
  }
}

module attributes {stable_mosaic.version = 14 : i64} {
  func.func @_tc3_body(%arg0: memref<2x10240x128xf32, #tpu.memory_space<vmem>>, %arg1: memref<10240x128xf32, #tpu.memory_space<vmem>>, %arg2: memref<10240x1xf32, #tpu.memory_space<vmem>>, %arg3: memref<1x128xf32, #tpu.memory_space<vmem>>, %arg4: memref<10240x128xf32, #tpu.memory_space<vmem>>) attributes {dimension_semantics = [], scalar_prefetch = 0 : i64, scratch_operands = 0 : i64, tpu.core_type = #tpu.core_type<tc>} {
    %get3A = arith.constant 0 : index
    %get3A_0 = arith.constant 0 : index
    %get3A_1 = vector.load %arg2[%get3A, %get3A_0] : memref<10240x1xf32, #tpu.memory_space<vmem>>, vector<10240x1xf32>
    %get3A_2 = arith.constant 0 : index
    %get3A_3 = arith.constant 0 : index
    %get3A_4 = arith.constant 0 : index
    %get3A_5 = vector.load %arg0[%get3A_2, %get3A_3, %get3A_4] : memref<2x10240x128xf32, #tpu.memory_space<vmem>>, vector<1x10240x128xf32>
    %get3A_6 = vector.shape_cast %get3A_5 : vector<1x10240x128xf32> to vector<10240x128xf32>
    %get3A_7 = arith.constant 1 : index
    %get3A_8 = arith.constant 0 : index
    %get3A_9 = arith.constant 0 : index
    %get3A_10 = vector.load %arg0[%get3A_7, %get3A_8, %get3A_9] : memref<2x10240x128xf32, #tpu.memory_space<vmem>>, vector<1x10240x128xf32>
    %get3A_11 = vector.shape_cast %get3A_10 : vector<1x10240x128xf32> to vector<10240x128xf32>
    %add3A = arith.addf %get3A_6, %get3A_11 : vector<10240x128xf32>
    %get3A_12 = arith.constant 0 : index
    %get3A_13 = arith.constant 0 : index
    %get3A_14 = vector.load %arg1[%get3A_12, %get3A_13] : memref<10240x128xf32, #tpu.memory_space<vmem>>, vector<10240x128xf32>
    %add3A_15 = arith.addf %add3A, %get3A_14 : vector<10240x128xf32>
    %mul3A = vector.broadcast %get3A_1 : vector<10240x1xf32> to vector<10240x128xf32>
    %mul3A_16 = arith.mulf %mul3A, %add3A_15 : vector<10240x128xf32>
    %get3A_17 = arith.constant 0 : index
    %get3A_18 = arith.constant 0 : index
    %get3A_19 = vector.load %arg3[%get3A_17, %get3A_18] : memref<1x128xf32, #tpu.memory_space<vmem>>, vector<1x128xf32>
    %add3A_20 = vector.broadcast %get3A_19 : vector<1x128xf32> to vector<10240x128xf32>
    %add3A_21 = arith.addf %mul3A_16, %add3A_20 : vector<10240x128xf32>
    %swap3A = arith.constant 0 : index
    %swap3A_22 = arith.constant 0 : index
    %swap3A_23 = vector.load %arg4[%swap3A, %swap3A_22] : memref<10240x128xf32, #tpu.memory_space<vmem>>, vector<10240x128xf32>
    tpu.vector_store %arg4[%swap3A, %swap3A_22], %add3A_21 {strides = array<i32>} : memref<10240x128xf32, #tpu.memory_space<vmem>>, vector<10240x128xf32>,
    return
  }
}

</mosaic_0001>

<sc_bundles>
// kernel: kernel.11.cloned.1.call-start
scs
__scs_entry_jumppad:
0x0: {  	(pc) =	sbr.rel $0x88, $3  }
0x1: {  	(tag) =	ssettag $0x0;
	lr =	simm.s32 $0x1  }
0x2: {  	[smem:$0x3F9B] =	sst lr;
	_ =	strace $0xD0000000  }
0x3: {  	_ = 	snop  }
0x4: {  	_ = 	snop  }
0x5: {  	_ = 	snop  }
0x6: {  	_ = 	snop  }
0x7: {  	_ = 	snop  }
__scs_overlays_trampoline_lowered:
0x8: {  	[smem:$0x3FAA] =	sst s0  }
0x9: {  	[smem:$0x3FAB] =	sst s1  }
0xa: {  	[smem:$0x3FAC] =	sst s2  }
0xb: {  	[smem:$0x3FAD] =	sst s3  }
0xc: {  	[smem:$0x3FAE] =	sst s4  }
0xd: {  	[smem:$0x3FAF] =	sst s5  }
0xe: {  	[smem:$0x3FB0] =	sst s6  }
0xf: {  	[smem:$0x3FB1] =	sst s7  }
0x10: {  	[smem:$0x3FB2] =	sst s8  }
0x11: {  	[smem:$0x3FB3] =	sst s9;
	s0 =	simm.s32 @!p0 $0x0  }
0x12: {  	s1 =	sld [smem:$0x3F99];
	s0 =	simm.s32 @p0 $0x1  }
0x13: {  	[smem:$0x3FB4] =	sst s0;
	s0 =	simm.s32 @!p1 $0x0  }
0x14: {  	s2 =	sld [smem:$0x3F98];
	s0 =	simm.s32 @p1 $0x1  }
0x15: {  	[smem:$0x3FB5] =	sst s0;
	s0 =	simm.s32 @!p2 $0x0  }
0x16: {  	s3 =	sld [smem:$0x3FDB];
	s0 =	simm.s32 @p2 $0x1  }
0x17: {  	s4 =	simm.s32 $0x1BF5;
	[smem:$0x3FB7] =	sst s0  }
0x18: {  	s0 =	sld [smem:$0x3F9A];
	_ =	swait.ge [sflag:s4], $0x0  }
0x19: {  	s7 =	sld [smem:$0x3F9B]  }
0x1a: {  	s8 =	sadd.s32 $0xFFFFE003, lr  }
0x1b: {  	s9 =	sadd.s32 $0xFFFFFEF7, lr;
	s5 =	simm.s32 $0xFFFFFFFF;
	p2 =	slt.u32 s8, $0xFFFFF086  }
0x1c: {  	p1 =	slt.u32 s9, $0xF7A;
	s5 =	simm.s32 @!p2 $0x0  }
0x1d: {  	s5 =	simm.s32 @p1 $0x1;
	p0 =	seq.s32 s7, s2  }
0x1e: {  	s7 =	smul.u32 @!p0 $0xF7A, s2;
	p2 =	seq.s32 @!p0 s5, $0x0  }
0x1f: {  	s9 =	smul.u32 $0xF7A, s1;
	s8 =	simm.s32 @!p0 $0x1BF5;
	p2 =	por !p2, p0  }
0x20: {  	[sflag:s8] =	ssyncset.s32 @!p0 $0xFFFFF086;
	s6 =	sadd.s32 @!p0 s3, s7;
	s7 =	simm.s32 @!p0 $0x108  }
0x21: {  	s3 =	sadd.s32 s3, s9;
	s6 =	sadd.s32 @!p0 $0x88, s6;
	s7 =	simm.s32 @p2 $0x1082  }
0x22: {  	[simem:s7], [sflag:s8] =	dma.local @!p0 [hbm:s6], $0xF7A  }
0x23: {  	s9 =	sor.u32 $0xD0000000, s2;
	s6 =	simm.s32 $0x108;
	_ =	swait.ge @!p0 [sflag:s8], $0x0  }
0x24: {  	s3 =	sadd.s32 $0x88, s3;
	s6 =	simm.s32 @!p1 $0x1082;
	[sflag:s4] =	ssyncset.s32 $0xFFFFF086  }
0x25: {  	[simem:s6], [sflag:s4] =	dma.local [hbm:s3], $0xF7A  }
0x26: {  	[smem:$0x3F9B] =	sst s1;
	(tag) =	ssettag s2;
	_ =	strace s9  }
0x27: {  	s1 =	sld [smem:$0x3FAB]  }
0x28: {  	s2 =	sld [smem:$0x3FAC]  }
0x29: {  	s4 =	sld [smem:$0x3FAE]  }
0x2a: {  	p0 =	seq.s32 s5, $0x0;
	s5 =	sld [smem:$0x3FAF]  }
0x2b: {  	s6 =	sld [smem:$0x3FB0]  }
0x2c: {  	s7 =	sld [smem:$0x3FB1]  }
0x2d: {  	s3 =	simm.s32 $0x108;
	s8 =	sld [smem:$0x3FB2]  }
0x2e: {  	s3 =	simm.s32 @!p0 $0x1082;
	s9 =	sld [smem:$0x3FB3]  }
0x2f: {  	lr =	sadd.s32 s0, s3;
	s0 =	sld [smem:$0x3FAA]  }
0x30: {  	s3 =	sld [smem:$0x3FAD]  }
0x31: {  	[smem:$0x3FB6] =	sst s10  }
0x32: {  	s10 =	sld [smem:$0x3FB4];
	_ =	sdelay $0x3  }
0x33: {  	p0 =	seq.s32 s10, $0x1;
	s10 =	sld [smem:$0x3FB6];
	_ =	sdelay $0x3  }
0x34: {  	[smem:$0x3FB6] =	sst s10  }
0x35: {  	s10 =	sld [smem:$0x3FB5];
	_ =	sdelay $0x3  }
0x36: {  	p1 =	seq.s32 s10, $0x1;
	s10 =	sld [smem:$0x3FB6];
	_ =	sdelay $0x3  }
0x37: {  	[smem:$0x3FB6] =	sst s10  }
0x38: {  	s10 =	sld [smem:$0x3FB7]  }
0x39: {  	_ = 	snop;
	(pc) =	sbr.ind lr, $3  }
0x3a: {  	_ = 	snop  }
0x3b: {  	_ = 	snop  }
0x3c: {  	p2 =	seq.s32 s10, $0x1;
	s10 =	sld [smem:$0x3FB6]  }
0x3d: {  	_ =	shalt  }
0x3e: {  	_ =	shalt  }
0x3f: {  	_ =	shalt  }
0x40: {  	_ =	shalt  }
0x41: {  	_ =	shalt  }
0x42: {  	_ =	shalt  }
0x43: {  	_ =	shalt  }
0x44: {  	_ =	shalt  }
0x45: {  	_ =	shalt  }
0x46: {  	_ =	shalt  }
0x47: {  	_ =	shalt  }
0x48: {  	_ =	shalt  }
0x49: {  	_ =	shalt  }
0x4a: {  	_ =	shalt  }
0x4b: {  	_ =	shalt  }
0x4c: {  	_ =	shalt  }
0x4d: {  	_ =	shalt  }
0x4e: {  	_ =	shalt  }
0x4f: {  	_ =	shalt  }
0x50: {  	_ =	shalt  }
0x51: {  	_ =	shalt  }
0x52: {  	_ =	shalt  }
0x53: {  	_ =	shalt  }
0x54: {  	_ =	shalt  }
0x55: {  	_ =	shalt  }
0x56: {  	_ =	shalt  }
0x57: {  	_ =	shalt  }
0x58: {  	_ =	shalt  }
0x59: {  	_ =	shalt  }
0x5a: {  	_ =	shalt  }
0x5b: {  	_ =	shalt  }
0x5c: {  	_ =	shalt  }
0x5d: {  	_ =	shalt  }
0x5e: {  	_ =	shalt  }
0x5f: {  	_ =	shalt  }
0x60: {  	_ =	shalt  }
0x61: {  	_ =	shalt  }
0x62: {  	_ =	shalt  }
0x63: {  	_ =	shalt  }
0x64: {  	_ =	shalt  }
0x65: {  	_ =	shalt  }
0x66: {  	_ =	shalt  }
0x67: {  	_ =	shalt  }
0x68: {  	_ =	shalt  }
0x69: {  	_ =	shalt  }
0x6a: {  	_ =	shalt  }
0x6b: {  	_ =	shalt  }
0x6c: {  	_ =	shalt  }
0x6d: {  	_ =	shalt  }
0x6e: {  	_ =	shalt  }
0x6f: {  	_ =	shalt  }
0x70: {  	_ =	shalt  }
0x71: {  	_ =	shalt  }
0x72: {  	_ =	shalt  }
0x73: {  	_ =	shalt  }
0x74: {  	_ =	shalt  }
0x75: {  	_ =	shalt  }
0x76: {  	_ =	shalt  }
0x77: {  	_ =	shalt  }
0x78: {  	_ =	shalt  }
0x79: {  	_ =	shalt  }
0x7a: {  	_ =	shalt  }
0x7b: {  	_ =	shalt  }
0x7c: {  	_ =	shalt  }
0x7d: {  	_ =	shalt  }
0x7e: {  	_ =	shalt  }
0x7f: {  	_ =	shalt  }
0x80: {  	_ =	shalt  }
0x81: {  	_ =	shalt  }
0x82: {  	_ =	shalt  }
0x83: {  	_ =	shalt  }
0x84: {  	_ =	shalt  }
0x85: {  	_ =	shalt  }
0x86: {  	_ =	shalt  }
0x87: {  	_ =	shalt  }
.Lfunc_end0:
.L_simem_size_0:
called_computation.1_lowered:
.L_overlay_start_0:
0x88: {  	s2 =	sld [smem:$0x3FD9]  }
0x89: {  	s3 =	sld [smem:$0x3FFE];
	_ =	sdelay $0x1  }
0x8a: {  	s1 =	srdreg.scid  }
0x8b: {  	s0 =	sand.u32 $0x1, s1  }
0x8c: {  	s17 =	sshll.u32 s0, $0xA;
	s2 =	sadd.s32 s3, s2  }
0x8d: {  	s2 =	sadd.s32 s2, s17  }
0x8e: {  	[smem:$0x3FC2] =	sst s2  }
0x8f: {  	_ = 	snop  }
0x90: {  	s2 =	sld [smem:$0x3FD0];
	(tm) =	ssettm $0x1  }
0x91: {  	s18 =	sld [smem:$0x3FFB];
	_ =	sdelay $0x3  }
0x92: {  	_ =	strace s18  }
0x93: {  	s3 =	sld [smem:$0x3FFC];
	_ =	sdelay $0x3  }
0x94: {  	_ =	strace s3  }
0x95: {  	s3 =	sld [smem:$0x3FFD];
	_ =	sdelay $0x3  }
0x96: {  	_ =	strace s3  }
0x97: {  	_ =	strace $0x8FFFFFFF  }
0x98: {  	s19 =	sld [smem:$0x3FDB];
	_ =	sdelay $0x1  }
0x99: {  	s4 =	simm.s32 $_scs_section_size  }
0x9a: {  	s5 =	simm.s32 $_size__tile_overlayer_lowered;
	s6 =	simm.s32 $_tile_overlayer_lowered  }
0x9b: {  	s22 =	simm.s32 $0x1BFF;
	s21 =	sshll.u32 s6, $0x1;
	s3 =	sadd.s32 s4, s19  }
0x9c: {  	s7 =	simm.s32 $0x0;
	s20 =	sshll.u32 s5, $0x1;
	s5 =	sadd.s32 s21, s3  }
0x9d: {  	[timem:s7], [sflag:s22] =	dma.local [hbm:s5], s20  }
0x9e: {  	_ =	swait.ge [sflag:s22], s20  }
0x9f: {  	s4 =	ssub.s32 $0x0, s20;
	[sflag:s22] =	ssyncset.done $0x0  }
0xa0: {  	[sflag:s22] =	ssyncadd.s32 s4;
	_ =	sdelay $0x1  }
0xa1: {  	s23 =	simm.s32 $0x1B8B  }
0xa2: {  	_ =	swait.ge [sflag:s23], $0x1  }
0xa3: {  	[sflag:s23] =	ssyncset.done $0x0  }
0xa4: {  	s25 =	simm.s32 $0x1B8E;
	s24 =	sld [smem:$0x3FFE];
	[sflag:s23] =	ssyncadd.s32 $0xFFFFFFFF  }
0xa5: {  	s26 =	simm.s32 $execute0_lowered;
	[smem:$0x3FD2] =	sst s25  }
0xa6: {  	s5 =	sshll.u32 s26, $0x1;
	_ =	strace $0x80000049;
	[dreg:$0x1] =	wrdreg $0xFFFFFFFF  }
0xa7: {  	s28 =	simm.s32 $_size_execute0_lowered;
	s3 =	sadd.s32 s3, s5;
	[dreg:$0x0] =	wrdreg $0x0  }
0xa8: {  	s5 =	sshll.u32 s28, $0x1;
	[dreg:$0x2] =	wrdreg s3  }
0xa9: {  	[dreg:$0x3] =	wrdreg s5  }
0xaa: {  	[dreg:$0x4] =	wrdreg $0xC0  }
0xab: {  	_ =	task [dreg:s7], $0x5FFFF  }
0xac: {  	[dreg:$0x1] =	wrdreg $0xFFFFFFFF  }
0xad: {  	[dreg:$0x0] =	wrdreg $0x60  }
0xae: {  	[dreg:$0x2] =	wrdreg s24  }
0xaf: {  	[dreg:$0x3] =	wrdreg s2  }
0xb0: {  	[dreg:$0x4] =	wrdreg $0x90000  }
0xb1: {  	[dreg:$0x5] =	wrdreg $0x9  }
0xb2: {  	_ =	task.clear_ibuf [dreg:s7], $0x6FFFF;
	_ =	strace $0x90000049  }
0xb3: {  	s29 =	simm.s32 $0x9;
	_ =	strace $0x8000004B  }
0xb4: {  	_ =	swait.ge [sflag:s29], $0x1  }
0xb5: {  	[sflag:s29] =	ssyncadd.s32 $0xFFFFFFFF  }
0xb6: {  	_ =	strace $0x9000004B  }
0xb7: {  	_ =	sfence  }
0xb8: {  	s30 =	sld [smem:$0x0];
	_ =	sdelay $0x2  }
0xb9: {  	s31 =	sshll.u32 s1, $0xD;
	s1 =	sshrl.u32 s1, $0x2  }
0xba: {  	s3 =	sand.u32 $0x4000, s31;
	s1 =	sadd.s32 s1, s30  }
0xbb: {  	s0 =	sor.u32 s3, s0;
	s1 =	sshll.u32 s1, $0x11  }
0xbc: {  	s0 =	sor.u32 s1, s0  }
0xbd: {  	s0 =	sadd.s32 $0x8F2B, s0  }
0xbe: {  	[sflag:s0] =	ssyncadd.remote.s32 $0x1  }
0xbf: {  	_ =	sfence.sel $0xFFFF  }
0xc0: {  	[dreg:$0x0] =	wrdreg $0xFFFFFFFF;
	(pc) =	sbr.abs _section_cstart, $3  }
0xc1: {  	[dreg:$0x1] =	wrdreg $0xFFFFFFFF  }
0xc2: {  	_ =	task.clear_ibuf [dreg:s7], $0x2FFFF;
	_ =	strace $0x9FFFFFFF  }
0xc3: {  	(tm) =	ssettm $0x7FFFFFFF  }
tec
execute0_lowered:
.L_overlay_start_1:
0x0: {  	(tag) =	ssettag $0x1  }
0x1: {  	s1 =	srdreg.scid;
	s6 =	rddreg [dreg:$0x0]  }
0x2: {  	s0 =	stileid.u32;
	s8 =	rddreg [dreg:$0x1]  }
0x3: {  	s2 =	rddreg [dreg:$0x2];
	s3 =	simm.s32 $0x0;
	s14 =	simm.s32 $0x80  }
0x4: {  	s15 =	simm.s32 $0x5000;
	s16 =	simm.s32 $0x1;
	s17 =	simm.s32 $0x0  }
0x5: {  	s7 =	sand.u32 $0x1, s1;
	s29 =	sshll.u32 s0, $0x1;
	s10 =	smul.u32 $0x14000, s0  }
0x6: {  	[smem:$0x7FF] =	sst s3;
	s4 =	sadd.s32 $0xD000, s6;
	s12 =	smul.u32 $0x50000, s0  }
0x7: {  	s31 =	sshll.u32 s0, $0x6;
	s1 =	sor.u32 s7, s29;
	s5 =	smul.u32 $0x140000, s7  }
0x8: {  	s7 =	ssub.s32 $0x2, s7;
	s9 =	smul.u32 $0x500, s1;
	s1 =	rddreg [dreg:$0x3]  }
0x9: {  	_ =	strace $0x8000004A;
	s30 =	sshrl.u32 s7, $0x1;
	s12 =	sshrl.u32 s12, $0x2  }
0xa: {  	s10 =	sadd.s32 s10, s5;
	s5 =	sadd.s32 $0x35000, s6;
	s13 =	ssub.s32 s7, s30  }
0xb: {  	s12 =	sadd.s32 s12, s2;
	s11 =	sadd.s32 s9, s6;
	s10 =	sshrl.u32 s10, $0x3  }
0xc: {  	s8 =	sadd.s32 s8, s9;
	s10 =	sadd.s32 s10, s6;
	s6 =	sor.u32 $0x1C02, s31  }
0xd: {  	s7 =	sadd.s32 $0x3000, s11;
	s11 =	sshrl.u32 s12, $0x3;
	s12 =	simm.s32 $0x2  }
0xe: {  	s9 =	sadd.s32 $0x37800, s10;
	s10 =	smax.u32 s13, $0x1;
	s13 =	simm.s32 $0x2800  }
.LBB2_1:
0xf: {  	[spmem:s11], [sflag:s6] =	dma.local [hbm:s5], $0x2800  }
0x10: {  	_ =	swait.ge [sflag:s12], $0x2800  }
0x11: {  	[sflag:s12] =	ssyncset.done $0x0  }
0x12: {  	[sflag:s12] =	ssyncadd.s32 $0xFFFFD800  }
0x13: {  	[tilespmem:s3], [sflag:$0x2] =	stream.linear.gather [hbm4b:s7+s3], $0x2780, $0x38;
	[tilespmem:$0x1D000] =	vst v63  }
0x14: {  	_ =	swait.ge [sflag:s12], $0x2780  }
0x15: {  	[sflag:s12] =	ssyncset.done $0x0  }
0x16: {  	[sflag:s12] =	ssyncadd.s32 $0xFFFFD880  }
0x17: {  	[tilespmem:s13], [sflag:$0x2] =	stream.linear.gather [hbm4b:s8+s3], $0x2780, $0x38;
	[tilespmem:$0x1D000] =	vst v63  }
0x18: {  	_ =	swait.ge [sflag:s12], $0x2780  }
0x19: {  	[sflag:s12] =	ssyncset.done $0x0  }
0x1a: {  	[sflag:s12] =	ssyncadd.s32 $0xFFFFD880  }
0x1b: {  	s18 =	simm.s32 $0x0;
	[bflag:$0x0] =	sbarrier.arrive $0xFFFF  }
0x1c: {  	[tilespmem:s15], [sflag:$0x1] =	stream.indirect.gather [hbm4b:s4+s14], $0x80, s18, s14, $0xb8;
	[tilespmem:$0x1D000] =	vst v63  }
0x1d: {  	_ =	swait.ge [sflag:s16], $0x4000  }
0x1e: {  	[sflag:s16] =	ssyncset.done $0x0  }
0x1f: {  	s31 =	simm.s32 $0x2800;
	[sflag:s16] =	ssyncadd.s32 $0xFFFFC000  }
0x20: {  	[spmem:s2] =	stream.indirect.scatter.add.f32 [tilespmem:s15], [sflag:$0x2], $0x80, s31, s14, $0xb8;
	[tilespmem:$0x1D000] =	vst v63  }
0x21: {  	_ =	swait.ge [sflag:s12], $0x4000  }
0x22: {  	s19 =	simm.s32 $0x400;
	s18 =	simm.s32 $0x200;
	[sflag:s12] =	ssyncset.done $0x0  }
.LBB2_2:
0x23: {  	s20 =	sshra.s32 s18, $0x2  }
0x24: {  	[sflag:s12] =	ssyncadd.s32 $0xFFFFC000;
	s18 =	smov.u32 s19;
	s21 =	sadd.s32 $0x200, s19  }
0x25: {  	[tilespmem:s15], [sflag:$0x1] =	stream.indirect.gather [hbm4b:s4+s14], $0x80, s20, s14, $0xb8;
	[tilespmem:$0x1D000] =	vst v63  }
0x26: {  	p0 =	sne.s32 s19, $0x9C00;
	_ =	swait.ge [sflag:s16], $0x4000  }
.Ltmp0:
0x27: {  	[sflag:s16] =	ssyncset.done $0x0;
	(pc) =	sbr.rel @p0 .LBB2_2-.Ltmp0, $4  }
0x28: {  	s19 =	sadd.s32 $0x2800, s20;
	[sflag:s16] =	ssyncadd.s32 $0xFFFFC000  }
0x29: {  	[spmem:s2] =	stream.indirect.scatter.add.f32 [tilespmem:s15], [sflag:$0x2], $0x80, s19, s14, $0xb8;
	[tilespmem:$0x1D000] =	vst v63  }
0x2a: {  	_ =	swait.ge [sflag:s12], $0x4000  }
0x2b: {  	s19 =	smov.u32 s21;
	[sflag:s12] =	ssyncset.done $0x0  }
0x2c: {  	s18 =	sshra.s32 s18, $0x2;
	[sflag:s12] =	ssyncadd.s32 $0xFFFFC000  }
0x2d: {  	[tilespmem:s15], [sflag:$0x1] =	stream.indirect.gather [hbm4b:s4+s14], $0x80, s18, s14, $0xb8;
	[tilespmem:$0x1D000] =	vst v63  }
0x2e: {  	_ =	swait.ge [sflag:s16], $0x4000  }
0x2f: {  	[sflag:s16] =	ssyncset.done $0x0  }
0x30: {  	s18 =	sadd.s32 $0x2800, s18;
	[sflag:s16] =	ssyncadd.s32 $0xFFFFC000  }
0x31: {  	[spmem:s2] =	stream.indirect.scatter.add.f32 [tilespmem:s15], [sflag:$0x2], $0x80, s18, s14, $0xb8;
	[tilespmem:$0x1D000] =	vst v63  }
0x32: {  	_ =	swait.ge [sflag:s12], $0x4000  }
0x33: {  	s17 =	sadd.s32 $0x1, s17;
	[sflag:s12] =	ssyncset.done $0x0  }
0x34: {  	p0 =	sne.s32 s17, s10;
	[sflag:s12] =	ssyncadd.s32 $0xFFFFC000  }
.Ltmp1:
0x35: {  	[bflag:$0x0] =	sbarrier.arrive $0xFFFF;
	(pc) =	sbr.rel @p0 .LBB2_1-.Ltmp1, $4  }
0x36: {  	[hbm:s9], [sflag:s6] =	dma.local [spmem:s11], $0x2800  }
0x37: {  	_ =	swait.ge [sflag:s12], $0x2800  }
0x38: {  	[sflag:s12] =	ssyncset.done $0x0  }
0x39: {  	[sflag:s12] =	ssyncadd.s32 $0xFFFFD800  }
0x3a: {  	_ =	sfence.sel $0x180000  }
0x3b: {  	[bflag:$0x0] =	sbarrier.arrive $0xFFFF  }
0x3c: {  	p0 =	sne.s32 s0, $0x0;
	_ =	strace $0x9000004A  }
0x3d: {  	s0 =	sadd.s32 @!p0 $0x100000, s1;
	[bflag:$0x2] =	sbarrier.arrive $0xFFFF  }
0x3e: {  	[sflag:s0] =	ssyncadd.tile.s32 @!p0 $0x1;
	_ =	shalt  }
.Lfunc_end2:
_tile_overlayer_lowered:
.L_overlay_start_2:
0x3f: {  	(tag) =	ssettag $0x2  }
0x40: {  	s0 =	rddreg [dreg:$0x0];
	s2 =	stileid.u32  }
0x41: {  	s1 =	rddreg [dreg:$0x1];
	p0 =	sne.s32 s2, $0x0  }
0x42: {  	s3 =	rddreg [dreg:$0x2];
	[bflag:$0x3] =	sbarrier.arrive $0xFFFF;
	s2 =	simm.s32 @!p0 $0x1C02  }
0x43: {  	[timem:s3], [sflag:s2] =	dma.local @!p0 [hbm:s0], s1  }
0x44: {  	s0 =	simm.s32 @!p0 $0x2  }
0x45: {  	_ =	swait.ge @!p0 [sflag:s0], s1  }
0x46: {  	s1 =	ssub.s32 @!p0 $0x0, s1;
	[sflag:s0] =	ssyncset.done @!p0 $0x0  }
0x47: {  	[sflag:s0] =	ssyncadd.s32 @!p0 s1  }
0x48: {  	[bflag:$0x3] =	sbarrier.arrive $0xFFFF  }
0x49: {  	_ =	shalt  }

// kernel: kernel.14.cloned.1.call-start
scs
__scs_entry_jumppad:
0x0: {  	(pc) =	sbr.rel $0x88, $3  }
0x1: {  	(tag) =	ssettag $0x0;
	lr =	simm.s32 $0x1  }
0x2: {  	[smem:$0x3F9B] =	sst lr;
	_ =	strace $0xD0000000  }
0x3: {  	_ = 	snop  }
0x4: {  	_ = 	snop  }
0x5: {  	_ = 	snop  }
0x6: {  	_ = 	snop  }
0x7: {  	_ = 	snop  }
__scs_overlays_trampoline_lowered:
0x8: {  	[smem:$0x3FAA] =	sst s0  }
0x9: {  	[smem:$0x3FAB] =	sst s1  }
0xa: {  	[smem:$0x3FAC] =	sst s2  }
0xb: {  	[smem:$0x3FAD] =	sst s3  }
0xc: {  	[smem:$0x3FAE] =	sst s4  }
0xd: {  	[smem:$0x3FAF] =	sst s5  }
0xe: {  	[smem:$0x3FB0] =	sst s6  }
0xf: {  	[smem:$0x3FB1] =	sst s7  }
0x10: {  	[smem:$0x3FB2] =	sst s8  }
0x11: {  	[smem:$0x3FB3] =	sst s9;
	s0 =	simm.s32 @!p0 $0x0  }
0x12: {  	s1 =	sld [smem:$0x3F99];
	s0 =	simm.s32 @p0 $0x1  }
0x13: {  	[smem:$0x3FB4] =	sst s0;
	s0 =	simm.s32 @!p1 $0x0  }
0x14: {  	s2 =	sld [smem:$0x3F98];
	s0 =	simm.s32 @p1 $0x1  }
0x15: {  	[smem:$0x3FB5] =	sst s0;
	s0 =	simm.s32 @!p2 $0x0  }
0x16: {  	s3 =	sld [smem:$0x3FDB];
	s0 =	simm.s32 @p2 $0x1  }
0x17: {  	s4 =	simm.s32 $0x1BF5;
	[smem:$0x3FB7] =	sst s0  }
0x18: {  	s0 =	sld [smem:$0x3F9A];
	_ =	swait.ge [sflag:s4], $0x0  }
0x19: {  	s7 =	sld [smem:$0x3F9B]  }
0x1a: {  	s8 =	sadd.s32 $0xFFFFE003, lr  }
0x1b: {  	s9 =	sadd.s32 $0xFFFFFEF7, lr;
	s5 =	simm.s32 $0xFFFFFFFF;
	p2 =	slt.u32 s8, $0xFFFFF086  }
0x1c: {  	p1 =	slt.u32 s9, $0xF7A;
	s5 =	simm.s32 @!p2 $0x0  }
0x1d: {  	s5 =	simm.s32 @p1 $0x1;
	p0 =	seq.s32 s7, s2  }
0x1e: {  	s7 =	smul.u32 @!p0 $0xF7A, s2;
	p2 =	seq.s32 @!p0 s5, $0x0  }
0x1f: {  	s9 =	smul.u32 $0xF7A, s1;
	s8 =	simm.s32 @!p0 $0x1BF5;
	p2 =	por !p2, p0  }
0x20: {  	[sflag:s8] =	ssyncset.s32 @!p0 $0xFFFFF086;
	s6 =	sadd.s32 @!p0 s3, s7;
	s7 =	simm.s32 @!p0 $0x108  }
0x21: {  	s3 =	sadd.s32 s3, s9;
	s6 =	sadd.s32 @!p0 $0x88, s6;
	s7 =	simm.s32 @p2 $0x1082  }
0x22: {  	[simem:s7], [sflag:s8] =	dma.local @!p0 [hbm:s6], $0xF7A  }
0x23: {  	s9 =	sor.u32 $0xD0000000, s2;
	s6 =	simm.s32 $0x108;
	_ =	swait.ge @!p0 [sflag:s8], $0x0  }
0x24: {  	s3 =	sadd.s32 $0x88, s3;
	s6 =	simm.s32 @!p1 $0x1082;
	[sflag:s4] =	ssyncset.s32 $0xFFFFF086  }
0x25: {  	[simem:s6], [sflag:s4] =	dma.local [hbm:s3], $0xF7A  }
0x26: {  	[smem:$0x3F9B] =	sst s1;
	(tag) =	ssettag s2;
	_ =	strace s9  }
0x27: {  	s1 =	sld [smem:$0x3FAB]  }
0x28: {  	s2 =	sld [smem:$0x3FAC]  }
0x29: {  	s4 =	sld [smem:$0x3FAE]  }
0x2a: {  	p0 =	seq.s32 s5, $0x0;
	s5 =	sld [smem:$0x3FAF]  }
0x2b: {  	s6 =	sld [smem:$0x3FB0]  }
0x2c: {  	s7 =	sld [smem:$0x3FB1]  }
0x2d: {  	s3 =	simm.s32 $0x108;
	s8 =	sld [smem:$0x3FB2]  }
0x2e: {  	s3 =	simm.s32 @!p0 $0x1082;
	s9 =	sld [smem:$0x3FB3]  }
0x2f: {  	lr =	sadd.s32 s0, s3;
	s0 =	sld [smem:$0x3FAA]  }
0x30: {  	s3 =	sld [smem:$0x3FAD]  }
0x31: {  	[smem:$0x3FB6] =	sst s10  }
0x32: {  	s10 =	sld [smem:$0x3FB4];
	_ =	sdelay $0x3  }
0x33: {  	p0 =	seq.s32 s10, $0x1;
	s10 =	sld [smem:$0x3FB6];
	_ =	sdelay $0x3  }
0x34: {  	[smem:$0x3FB6] =	sst s10  }
0x35: {  	s10 =	sld [smem:$0x3FB5];
	_ =	sdelay $0x3  }
0x36: {  	p1 =	seq.s32 s10, $0x1;
	s10 =	sld [smem:$0x3FB6];
	_ =	sdelay $0x3  }
0x37: {  	[smem:$0x3FB6] =	sst s10  }
0x38: {  	s10 =	sld [smem:$0x3FB7]  }
0x39: {  	_ = 	snop;
	(pc) =	sbr.ind lr, $3  }
0x3a: {  	_ = 	snop  }
0x3b: {  	_ = 	snop  }
0x3c: {  	p2 =	seq.s32 s10, $0x1;
	s10 =	sld [smem:$0x3FB6]  }
0x3d: {  	_ =	shalt  }
0x3e: {  	_ =	shalt  }
0x3f: {  	_ =	shalt  }
0x40: {  	_ =	shalt  }
0x41: {  	_ =	shalt  }
0x42: {  	_ =	shalt  }
0x43: {  	_ =	shalt  }
0x44: {  	_ =	shalt  }
0x45: {  	_ =	shalt  }
0x46: {  	_ =	shalt  }
0x47: {  	_ =	shalt  }
0x48: {  	_ =	shalt  }
0x49: {  	_ =	shalt  }
0x4a: {  	_ =	shalt  }
0x4b: {  	_ =	shalt  }
0x4c: {  	_ =	shalt  }
0x4d: {  	_ =	shalt  }
0x4e: {  	_ =	shalt  }
0x4f: {  	_ =	shalt  }
0x50: {  	_ =	shalt  }
0x51: {  	_ =	shalt  }
0x52: {  	_ =	shalt  }
0x53: {  	_ =	shalt  }
0x54: {  	_ =	shalt  }
0x55: {  	_ =	shalt  }
0x56: {  	_ =	shalt  }
0x57: {  	_ =	shalt  }
0x58: {  	_ =	shalt  }
0x59: {  	_ =	shalt  }
0x5a: {  	_ =	shalt  }
0x5b: {  	_ =	shalt  }
0x5c: {  	_ =	shalt  }
0x5d: {  	_ =	shalt  }
0x5e: {  	_ =	shalt  }
0x5f: {  	_ =	shalt  }
0x60: {  	_ =	shalt  }
0x61: {  	_ =	shalt  }
0x62: {  	_ =	shalt  }
0x63: {  	_ =	shalt  }
0x64: {  	_ =	shalt  }
0x65: {  	_ =	shalt  }
0x66: {  	_ =	shalt  }
0x67: {  	_ =	shalt  }
0x68: {  	_ =	shalt  }
0x69: {  	_ =	shalt  }
0x6a: {  	_ =	shalt  }
0x6b: {  	_ =	shalt  }
0x6c: {  	_ =	shalt  }
0x6d: {  	_ =	shalt  }
0x6e: {  	_ =	shalt  }
0x6f: {  	_ =	shalt  }
0x70: {  	_ =	shalt  }
0x71: {  	_ =	shalt  }
0x72: {  	_ =	shalt  }
0x73: {  	_ =	shalt  }
0x74: {  	_ =	shalt  }
0x75: {  	_ =	shalt  }
0x76: {  	_ =	shalt  }
0x77: {  	_ =	shalt  }
0x78: {  	_ =	shalt  }
0x79: {  	_ =	shalt  }
0x7a: {  	_ =	shalt  }
0x7b: {  	_ =	shalt  }
0x7c: {  	_ =	shalt  }
0x7d: {  	_ =	shalt  }
0x7e: {  	_ =	shalt  }
0x7f: {  	_ =	shalt  }
0x80: {  	_ =	shalt  }
0x81: {  	_ =	shalt  }
0x82: {  	_ =	shalt  }
0x83: {  	_ =	shalt  }
0x84: {  	_ =	shalt  }
0x85: {  	_ =	shalt  }
0x86: {  	_ =	shalt  }
0x87: {  	_ =	shalt  }
.Lfunc_end0:
.L_simem_size_0:
called_computation.2_lowered:
.L_overlay_start_0:
0x88: {  	s2 =	sld [smem:$0x3FD9]  }
0x89: {  	s3 =	sld [smem:$0x3FFE];
	_ =	sdelay $0x1  }
0x8a: {  	s1 =	srdreg.scid  }
0x8b: {  	s0 =	sand.u32 $0x1, s1  }
0x8c: {  	s17 =	sshll.u32 s0, $0xA;
	s2 =	sadd.s32 s3, s2  }
0x8d: {  	s2 =	sadd.s32 s2, s17  }
0x8e: {  	[smem:$0x3FC2] =	sst s2  }
0x8f: {  	_ = 	snop  }
0x90: {  	s2 =	sld [smem:$0x3FD0];
	(tm) =	ssettm $0x1  }
0x91: {  	s18 =	sld [smem:$0x3FFB];
	_ =	sdelay $0x3  }
0x92: {  	_ =	strace s18  }
0x93: {  	s3 =	sld [smem:$0x3FFC];
	_ =	sdelay $0x3  }
0x94: {  	_ =	strace s3  }
0x95: {  	s3 =	sld [smem:$0x3FFD];
	_ =	sdelay $0x3  }
0x96: {  	_ =	strace s3  }
0x97: {  	_ =	strace $0x8FFFFFFF  }
0x98: {  	s19 =	sld [smem:$0x3FDB];
	_ =	sdelay $0x1  }
0x99: {  	s4 =	simm.s32 $_scs_section_size  }
0x9a: {  	s5 =	simm.s32 $_size__tile_overlayer_lowered;
	s6 =	simm.s32 $_tile_overlayer_lowered  }
0x9b: {  	s22 =	simm.s32 $0x1BFF;
	s21 =	sshll.u32 s6, $0x1;
	s3 =	sadd.s32 s4, s19  }
0x9c: {  	s7 =	simm.s32 $0x0;
	s20 =	sshll.u32 s5, $0x1;
	s5 =	sadd.s32 s21, s3  }
0x9d: {  	[timem:s7], [sflag:s22] =	dma.local [hbm:s5], s20  }
0x9e: {  	_ =	swait.ge [sflag:s22], s20  }
0x9f: {  	s4 =	ssub.s32 $0x0, s20;
	[sflag:s22] =	ssyncset.done $0x0  }
0xa0: {  	[sflag:s22] =	ssyncadd.s32 s4;
	_ =	sdelay $0x1  }
0xa1: {  	s23 =	simm.s32 $0x1B8B  }
0xa2: {  	_ =	swait.ge [sflag:s23], $0x1  }
0xa3: {  	[sflag:s23] =	ssyncset.done $0x0  }
0xa4: {  	s25 =	simm.s32 $0x1B8E;
	s24 =	sld [smem:$0x3FFE];
	[sflag:s23] =	ssyncadd.s32 $0xFFFFFFFF  }
0xa5: {  	s26 =	simm.s32 $execute0_lowered;
	[smem:$0x3FD2] =	sst s25  }
0xa6: {  	s5 =	sshll.u32 s26, $0x1;
	_ =	strace $0x8000004C;
	[dreg:$0x1] =	wrdreg $0xFFFFFFFF  }
0xa7: {  	s28 =	simm.s32 $_size_execute0_lowered;
	s3 =	sadd.s32 s3, s5;
	[dreg:$0x0] =	wrdreg $0x0  }
0xa8: {  	s5 =	sshll.u32 s28, $0x1;
	[dreg:$0x2] =	wrdreg s3  }
0xa9: {  	[dreg:$0x3] =	wrdreg s5  }
0xaa: {  	[dreg:$0x4] =	wrdreg $0xC0  }
0xab: {  	_ =	task [dreg:s7], $0x5FFFF  }
0xac: {  	[dreg:$0x1] =	wrdreg $0xFFFFFFFF  }
0xad: {  	[dreg:$0x0] =	wrdreg $0x60  }
0xae: {  	[dreg:$0x2] =	wrdreg s24  }
0xaf: {  	[dreg:$0x3] =	wrdreg s2  }
0xb0: {  	[dreg:$0x4] =	wrdreg $0x90000  }
0xb1: {  	[dreg:$0x5] =	wrdreg $0x9  }
0xb2: {  	_ =	task.clear_ibuf [dreg:s7], $0x6FFFF;
	_ =	strace $0x9000004C  }
0xb3: {  	s29 =	simm.s32 $0x9;
	_ =	strace $0x8000004E  }
0xb4: {  	_ =	swait.ge [sflag:s29], $0x1  }
0xb5: {  	[sflag:s29] =	ssyncadd.s32 $0xFFFFFFFF  }
0xb6: {  	_ =	strace $0x9000004E  }
0xb7: {  	_ =	sfence  }
0xb8: {  	s30 =	sld [smem:$0x0];
	_ =	sdelay $0x2  }
0xb9: {  	s31 =	sshll.u32 s1, $0xD;
	s1 =	sshrl.u32 s1, $0x2  }
0xba: {  	s3 =	sand.u32 $0x4000, s31;
	s1 =	sadd.s32 s1, s30  }
0xbb: {  	s0 =	sor.u32 s3, s0;
	s1 =	sshll.u32 s1, $0x11  }
0xbc: {  	s0 =	sor.u32 s1, s0  }
0xbd: {  	s0 =	sadd.s32 $0x8F2B, s0  }
0xbe: {  	[sflag:s0] =	ssyncadd.remote.s32 $0x1  }
0xbf: {  	_ =	sfence.sel $0xFFFF  }
0xc0: {  	[dreg:$0x0] =	wrdreg $0xFFFFFFFF;
	(pc) =	sbr.abs _section_cstart, $3  }
0xc1: {  	[dreg:$0x1] =	wrdreg $0xFFFFFFFF  }
0xc2: {  	_ =	task.clear_ibuf [dreg:s7], $0x2FFFF;
	_ =	strace $0x9FFFFFFF  }
0xc3: {  	(tm) =	ssettm $0x7FFFFFFF  }
tec
execute0_lowered:
.L_overlay_start_1:
0x0: {  	(tag) =	ssettag $0x1  }
0x1: {  	s1 =	srdreg.scid;
	s6 =	rddreg [dreg:$0x0]  }
0x2: {  	s0 =	stileid.u32;
	s8 =	rddreg [dreg:$0x1]  }
0x3: {  	s2 =	rddreg [dreg:$0x2];
	s3 =	simm.s32 $0x0;
	s14 =	simm.s32 $0x80  }
0x4: {  	s15 =	simm.s32 $0x5000;
	s16 =	simm.s32 $0x1;
	s17 =	simm.s32 $0x0  }
0x5: {  	s7 =	sand.u32 $0x1, s1;
	s29 =	sshll.u32 s0, $0x1;
	s10 =	smul.u32 $0x14000, s0  }
0x6: {  	[smem:$0x7FF] =	sst s3;
	s4 =	sadd.s32 $0xD000, s6;
	s12 =	smul.u32 $0x50000, s0  }
0x7: {  	s31 =	sshll.u32 s0, $0x6;
	s1 =	sor.u32 s7, s29;
	s5 =	smul.u32 $0x140000, s7  }
0x8: {  	s7 =	ssub.s32 $0x2, s7;
	s9 =	smul.u32 $0x500, s1;
	s1 =	rddreg [dreg:$0x3]  }
0x9: {  	_ =	strace $0x8000004D;
	s30 =	sshrl.u32 s7, $0x1;
	s12 =	sshrl.u32 s12, $0x2  }
0xa: {  	s10 =	sadd.s32 s10, s5;
	s5 =	sadd.s32 $0x35000, s6;
	s13 =	ssub.s32 s7, s30  }
0xb: {  	s12 =	sadd.s32 s12, s2;
	s11 =	sadd.s32 s9, s6;
	s10 =	sshrl.u32 s10, $0x3  }
0xc: {  	s8 =	sadd.s32 s8, s9;
	s10 =	sadd.s32 s10, s6;
	s6 =	sor.u32 $0x1C02, s31  }
0xd: {  	s7 =	sadd.s32 $0x3000, s11;
	s11 =	sshrl.u32 s12, $0x3;
	s12 =	simm.s32 $0x2  }
0xe: {  	s9 =	sadd.s32 $0x37800, s10;
	s10 =	smax.u32 s13, $0x1;
	s13 =	simm.s32 $0x2800  }
.LBB2_1:
0xf: {  	[spmem:s11], [sflag:s6] =	dma.local [hbm:s5], $0x2800  }
0x10: {  	_ =	swait.ge [sflag:s12], $0x2800  }
0x11: {  	[sflag:s12] =	ssyncset.done $0x0  }
0x12: {  	[sflag:s12] =	ssyncadd.s32 $0xFFFFD800  }
0x13: {  	[tilespmem:s3], [sflag:$0x2] =	stream.linear.gather [hbm4b:s7+s3], $0x2780, $0x38;
	[tilespmem:$0x1D000] =	vst v63  }
0x14: {  	_ =	swait.ge [sflag:s12], $0x2780  }
0x15: {  	[sflag:s12] =	ssyncset.done $0x0  }
0x16: {  	[sflag:s12] =	ssyncadd.s32 $0xFFFFD880  }
0x17: {  	[tilespmem:s13], [sflag:$0x2] =	stream.linear.gather [hbm4b:s8+s3], $0x2780, $0x38;
	[tilespmem:$0x1D000] =	vst v63  }
0x18: {  	_ =	swait.ge [sflag:s12], $0x2780  }
0x19: {  	[sflag:s12] =	ssyncset.done $0x0  }
0x1a: {  	[sflag:s12] =	ssyncadd.s32 $0xFFFFD880  }
0x1b: {  	s18 =	simm.s32 $0x0;
	[bflag:$0x0] =	sbarrier.arrive $0xFFFF  }
0x1c: {  	[tilespmem:s15], [sflag:$0x1] =	stream.indirect.gather [hbm4b:s4+s14], $0x80, s18, s14, $0xb8;
	[tilespmem:$0x1D000] =	vst v63  }
0x1d: {  	_ =	swait.ge [sflag:s16], $0x4000  }
0x1e: {  	[sflag:s16] =	ssyncset.done $0x0  }
0x1f: {  	s31 =	simm.s32 $0x2800;
	[sflag:s16] =	ssyncadd.s32 $0xFFFFC000  }
0x20: {  	[spmem:s2] =	stream.indirect.scatter.add.f32 [tilespmem:s15], [sflag:$0x2], $0x80, s31, s14, $0xb8;
	[tilespmem:$0x1D000] =	vst v63  }
0x21: {  	_ =	swait.ge [sflag:s12], $0x4000  }
0x22: {  	s19 =	simm.s32 $0x400;
	s18 =	simm.s32 $0x200;
	[sflag:s12] =	ssyncset.done $0x0  }
.LBB2_2:
0x23: {  	s20 =	sshra.s32 s18, $0x2  }
0x24: {  	[sflag:s12] =	ssyncadd.s32 $0xFFFFC000;
	s18 =	smov.u32 s19;
	s21 =	sadd.s32 $0x200, s19  }
0x25: {  	[tilespmem:s15], [sflag:$0x1] =	stream.indirect.gather [hbm4b:s4+s14], $0x80, s20, s14, $0xb8;
	[tilespmem:$0x1D000] =	vst v63  }
0x26: {  	p0 =	sne.s32 s19, $0x9C00;
	_ =	swait.ge [sflag:s16], $0x4000  }
.Ltmp0:
0x27: {  	[sflag:s16] =	ssyncset.done $0x0;
	(pc) =	sbr.rel @p0 .LBB2_2-.Ltmp0, $4  }
0x28: {  	s19 =	sadd.s32 $0x2800, s20;
	[sflag:s16] =	ssyncadd.s32 $0xFFFFC000  }
0x29: {  	[spmem:s2] =	stream.indirect.scatter.add.f32 [tilespmem:s15], [sflag:$0x2], $0x80, s19, s14, $0xb8;
	[tilespmem:$0x1D000] =	vst v63  }
0x2a: {  	_ =	swait.ge [sflag:s12], $0x4000  }
0x2b: {  	s19 =	smov.u32 s21;
	[sflag:s12] =	ssyncset.done $0x0  }
0x2c: {  	s18 =	sshra.s32 s18, $0x2;
	[sflag:s12] =	ssyncadd.s32 $0xFFFFC000  }
0x2d: {  	[tilespmem:s15], [sflag:$0x1] =	stream.indirect.gather [hbm4b:s4+s14], $0x80, s18, s14, $0xb8;
	[tilespmem:$0x1D000] =	vst v63  }
0x2e: {  	_ =	swait.ge [sflag:s16], $0x4000  }
0x2f: {  	[sflag:s16] =	ssyncset.done $0x0  }
0x30: {  	s18 =	sadd.s32 $0x2800, s18;
	[sflag:s16] =	ssyncadd.s32 $0xFFFFC000  }
0x31: {  	[spmem:s2] =	stream.indirect.scatter.add.f32 [tilespmem:s15], [sflag:$0x2], $0x80, s18, s14, $0xb8;
	[tilespmem:$0x1D000] =	vst v63  }
0x32: {  	_ =	swait.ge [sflag:s12], $0x4000  }
0x33: {  	s17 =	sadd.s32 $0x1, s17;
	[sflag:s12] =	ssyncset.done $0x0  }
0x34: {  	p0 =	sne.s32 s17, s10;
	[sflag:s12] =	ssyncadd.s32 $0xFFFFC000  }
.Ltmp1:
0x35: {  	[bflag:$0x0] =	sbarrier.arrive $0xFFFF;
	(pc) =	sbr.rel @p0 .LBB2_1-.Ltmp1, $4  }
0x36: {  	[hbm:s9], [sflag:s6] =	dma.local [spmem:s11], $0x2800  }
0x37: {  	_ =	swait.ge [sflag:s12], $0x2800  }
0x38: {  	[sflag:s12] =	ssyncset.done $0x0  }
0x39: {  	[sflag:s12] =	ssyncadd.s32 $0xFFFFD800  }
0x3a: {  	_ =	sfence.sel $0x180000  }
0x3b: {  	[bflag:$0x0] =	sbarrier.arrive $0xFFFF  }
0x3c: {  	p0 =	sne.s32 s0, $0x0;
	_ =	strace $0x9000004D  }
0x3d: {  	s0 =	sadd.s32 @!p0 $0x100000, s1;
	[bflag:$0x2] =	sbarrier.arrive $0xFFFF  }
0x3e: {  	[sflag:s0] =	ssyncadd.tile.s32 @!p0 $0x1;
	_ =	shalt  }
.Lfunc_end2:
_tile_overlayer_lowered:
.L_overlay_start_2:
0x3f: {  	(tag) =	ssettag $0x2  }
0x40: {  	s0 =	rddreg [dreg:$0x0];
	s2 =	stileid.u32  }
0x41: {  	s1 =	rddreg [dreg:$0x1];
	p0 =	sne.s32 s2, $0x0  }
0x42: {  	s3 =	rddreg [dreg:$0x2];
	[bflag:$0x3] =	sbarrier.arrive $0xFFFF;
	s2 =	simm.s32 @!p0 $0x1C02  }
0x43: {  	[timem:s3], [sflag:s2] =	dma.local @!p0 [hbm:s0], s1  }
0x44: {  	s0 =	simm.s32 @!p0 $0x2  }
0x45: {  	_ =	swait.ge @!p0 [sflag:s0], s1  }
0x46: {  	s1 =	ssub.s32 @!p0 $0x0, s1;
	[sflag:s0] =	ssyncset.done @!p0 $0x0  }
0x47: {  	[sflag:s0] =	ssyncadd.s32 @!p0 s1  }
0x48: {  	[bflag:$0x3] =	sbarrier.arrive $0xFFFF  }
0x49: {  	_ =	shalt  }

// kernel: kernel.8.cloned.1.call-start
scs
__scs_entry_jumppad:
0x0: {  	(pc) =	sbr.rel $0x88, $3  }
0x1: {  	(tag) =	ssettag $0x0;
	lr =	simm.s32 $0x1  }
0x2: {  	[smem:$0x3F9B] =	sst lr;
	_ =	strace $0xD0000000  }
0x3: {  	_ = 	snop  }
0x4: {  	_ = 	snop  }
0x5: {  	_ = 	snop  }
0x6: {  	_ = 	snop  }
0x7: {  	_ = 	snop  }
__scs_overlays_trampoline_lowered:
0x8: {  	[smem:$0x3FAA] =	sst s0  }
0x9: {  	[smem:$0x3FAB] =	sst s1  }
0xa: {  	[smem:$0x3FAC] =	sst s2  }
0xb: {  	[smem:$0x3FAD] =	sst s3  }
0xc: {  	[smem:$0x3FAE] =	sst s4  }
0xd: {  	[smem:$0x3FAF] =	sst s5  }
0xe: {  	[smem:$0x3FB0] =	sst s6  }
0xf: {  	[smem:$0x3FB1] =	sst s7  }
0x10: {  	[smem:$0x3FB2] =	sst s8  }
0x11: {  	[smem:$0x3FB3] =	sst s9;
	s0 =	simm.s32 @!p0 $0x0  }
0x12: {  	s1 =	sld [smem:$0x3F99];
	s0 =	simm.s32 @p0 $0x1  }
0x13: {  	[smem:$0x3FB4] =	sst s0;
	s0 =	simm.s32 @!p1 $0x0  }
0x14: {  	s2 =	sld [smem:$0x3F98];
	s0 =	simm.s32 @p1 $0x1  }
0x15: {  	[smem:$0x3FB5] =	sst s0;
	s0 =	simm.s32 @!p2 $0x0  }
0x16: {  	s3 =	sld [smem:$0x3FDB];
	s0 =	simm.s32 @p2 $0x1  }
0x17: {  	s4 =	simm.s32 $0x1BF5;
	[smem:$0x3FB7] =	sst s0  }
0x18: {  	s0 =	sld [smem:$0x3F9A];
	_ =	swait.ge [sflag:s4], $0x0  }
0x19: {  	s7 =	sld [smem:$0x3F9B]  }
0x1a: {  	s8 =	sadd.s32 $0xFFFFE003, lr  }
0x1b: {  	s9 =	sadd.s32 $0xFFFFFEF7, lr;
	s5 =	simm.s32 $0xFFFFFFFF;
	p2 =	slt.u32 s8, $0xFFFFF086  }
0x1c: {  	p1 =	slt.u32 s9, $0xF7A;
	s5 =	simm.s32 @!p2 $0x0  }
0x1d: {  	s5 =	simm.s32 @p1 $0x1;
	p0 =	seq.s32 s7, s2  }
0x1e: {  	s7 =	smul.u32 @!p0 $0xF7A, s2;
	p2 =	seq.s32 @!p0 s5, $0x0  }
0x1f: {  	s9 =	smul.u32 $0xF7A, s1;
	s8 =	simm.s32 @!p0 $0x1BF5;
	p2 =	por !p2, p0  }
0x20: {  	[sflag:s8] =	ssyncset.s32 @!p0 $0xFFFFF086;
	s6 =	sadd.s32 @!p0 s3, s7;
	s7 =	simm.s32 @!p0 $0x108  }
0x21: {  	s3 =	sadd.s32 s3, s9;
	s6 =	sadd.s32 @!p0 $0x88, s6;
	s7 =	simm.s32 @p2 $0x1082  }
0x22: {  	[simem:s7], [sflag:s8] =	dma.local @!p0 [hbm:s6], $0xF7A  }
0x23: {  	s9 =	sor.u32 $0xD0000000, s2;
	s6 =	simm.s32 $0x108;
	_ =	swait.ge @!p0 [sflag:s8], $0x0  }
0x24: {  	s3 =	sadd.s32 $0x88, s3;
	s6 =	simm.s32 @!p1 $0x1082;
	[sflag:s4] =	ssyncset.s32 $0xFFFFF086  }
0x25: {  	[simem:s6], [sflag:s4] =	dma.local [hbm:s3], $0xF7A  }
0x26: {  	[smem:$0x3F9B] =	sst s1;
	(tag) =	ssettag s2;
	_ =	strace s9  }
0x27: {  	s1 =	sld [smem:$0x3FAB]  }
0x28: {  	s2 =	sld [smem:$0x3FAC]  }
0x29: {  	s4 =	sld [smem:$0x3FAE]  }
0x2a: {  	p0 =	seq.s32 s5, $0x0;
	s5 =	sld [smem:$0x3FAF]  }
0x2b: {  	s6 =	sld [smem:$0x3FB0]  }
0x2c: {  	s7 =	sld [smem:$0x3FB1]  }
0x2d: {  	s3 =	simm.s32 $0x108;
	s8 =	sld [smem:$0x3FB2]  }
0x2e: {  	s3 =	simm.s32 @!p0 $0x1082;
	s9 =	sld [smem:$0x3FB3]  }
0x2f: {  	lr =	sadd.s32 s0, s3;
	s0 =	sld [smem:$0x3FAA]  }
0x30: {  	s3 =	sld [smem:$0x3FAD]  }
0x31: {  	[smem:$0x3FB6] =	sst s10  }
0x32: {  	s10 =	sld [smem:$0x3FB4];
	_ =	sdelay $0x3  }
0x33: {  	p0 =	seq.s32 s10, $0x1;
	s10 =	sld [smem:$0x3FB6];
	_ =	sdelay $0x3  }
0x34: {  	[smem:$0x3FB6] =	sst s10  }
0x35: {  	s10 =	sld [smem:$0x3FB5];
	_ =	sdelay $0x3  }
0x36: {  	p1 =	seq.s32 s10, $0x1;
	s10 =	sld [smem:$0x3FB6];
	_ =	sdelay $0x3  }
0x37: {  	[smem:$0x3FB6] =	sst s10  }
0x38: {  	s10 =	sld [smem:$0x3FB7]  }
0x39: {  	_ = 	snop;
	(pc) =	sbr.ind lr, $3  }
0x3a: {  	_ = 	snop  }
0x3b: {  	_ = 	snop  }
0x3c: {  	p2 =	seq.s32 s10, $0x1;
	s10 =	sld [smem:$0x3FB6]  }
0x3d: {  	_ =	shalt  }
0x3e: {  	_ =	shalt  }
0x3f: {  	_ =	shalt  }
0x40: {  	_ =	shalt  }
0x41: {  	_ =	shalt  }
0x42: {  	_ =	shalt  }
0x43: {  	_ =	shalt  }
0x44: {  	_ =	shalt  }
0x45: {  	_ =	shalt  }
0x46: {  	_ =	shalt  }
0x47: {  	_ =	shalt  }
0x48: {  	_ =	shalt  }
0x49: {  	_ =	shalt  }
0x4a: {  	_ =	shalt  }
0x4b: {  	_ =	shalt  }
0x4c: {  	_ =	shalt  }
0x4d: {  	_ =	shalt  }
0x4e: {  	_ =	shalt  }
0x4f: {  	_ =	shalt  }
0x50: {  	_ =	shalt  }
0x51: {  	_ =	shalt  }
0x52: {  	_ =	shalt  }
0x53: {  	_ =	shalt  }
0x54: {  	_ =	shalt  }
0x55: {  	_ =	shalt  }
0x56: {  	_ =	shalt  }
0x57: {  	_ =	shalt  }
0x58: {  	_ =	shalt  }
0x59: {  	_ =	shalt  }
0x5a: {  	_ =	shalt  }
0x5b: {  	_ =	shalt  }
0x5c: {  	_ =	shalt  }
0x5d: {  	_ =	shalt  }
0x5e: {  	_ =	shalt  }
0x5f: {  	_ =	shalt  }
0x60: {  	_ =	shalt  }
0x61: {  	_ =	shalt  }
0x62: {  	_ =	shalt  }
0x63: {  	_ =	shalt  }
0x64: {  	_ =	shalt  }
0x65: {  	_ =	shalt  }
0x66: {  	_ =	shalt  }
0x67: {  	_ =	shalt  }
0x68: {  	_ =	shalt  }
0x69: {  	_ =	shalt  }
0x6a: {  	_ =	shalt  }
0x6b: {  	_ =	shalt  }
0x6c: {  	_ =	shalt  }
0x6d: {  	_ =	shalt  }
0x6e: {  	_ =	shalt  }
0x6f: {  	_ =	shalt  }
0x70: {  	_ =	shalt  }
0x71: {  	_ =	shalt  }
0x72: {  	_ =	shalt  }
0x73: {  	_ =	shalt  }
0x74: {  	_ =	shalt  }
0x75: {  	_ =	shalt  }
0x76: {  	_ =	shalt  }
0x77: {  	_ =	shalt  }
0x78: {  	_ =	shalt  }
0x79: {  	_ =	shalt  }
0x7a: {  	_ =	shalt  }
0x7b: {  	_ =	shalt  }
0x7c: {  	_ =	shalt  }
0x7d: {  	_ =	shalt  }
0x7e: {  	_ =	shalt  }
0x7f: {  	_ =	shalt  }
0x80: {  	_ =	shalt  }
0x81: {  	_ =	shalt  }
0x82: {  	_ =	shalt  }
0x83: {  	_ =	shalt  }
0x84: {  	_ =	shalt  }
0x85: {  	_ =	shalt  }
0x86: {  	_ =	shalt  }
0x87: {  	_ =	shalt  }
.Lfunc_end0:
.L_simem_size_0:
called_computation_lowered:
.L_overlay_start_0:
0x88: {  	s2 =	sld [smem:$0x3FD9]  }
0x89: {  	s3 =	sld [smem:$0x3FFE];
	_ =	sdelay $0x1  }
0x8a: {  	s1 =	srdreg.scid  }
0x8b: {  	s0 =	sand.u32 $0x1, s1  }
0x8c: {  	s17 =	sshll.u32 s0, $0xA;
	s2 =	sadd.s32 s3, s2  }
0x8d: {  	s2 =	sadd.s32 s2, s17  }
0x8e: {  	[smem:$0x3FC2] =	sst s2  }
0x8f: {  	_ = 	snop  }
0x90: {  	s2 =	sld [smem:$0x3FD0];
	(tm) =	ssettm $0x1  }
0x91: {  	s18 =	sld [smem:$0x3FFB];
	_ =	sdelay $0x3  }
0x92: {  	_ =	strace s18  }
0x93: {  	s3 =	sld [smem:$0x3FFC];
	_ =	sdelay $0x3  }
0x94: {  	_ =	strace s3  }
0x95: {  	s3 =	sld [smem:$0x3FFD];
	_ =	sdelay $0x3  }
0x96: {  	_ =	strace s3  }
0x97: {  	_ =	strace $0x8FFFFFFF  }
0x98: {  	s19 =	sld [smem:$0x3FDB];
	_ =	sdelay $0x1  }
0x99: {  	s4 =	simm.s32 $_scs_section_size  }
0x9a: {  	s5 =	simm.s32 $_size__tile_overlayer_lowered;
	s6 =	simm.s32 $_tile_overlayer_lowered  }
0x9b: {  	s22 =	simm.s32 $0x1BFF;
	s21 =	sshll.u32 s6, $0x1;
	s3 =	sadd.s32 s4, s19  }
0x9c: {  	s7 =	simm.s32 $0x0;
	s20 =	sshll.u32 s5, $0x1;
	s5 =	sadd.s32 s21, s3  }
0x9d: {  	[timem:s7], [sflag:s22] =	dma.local [hbm:s5], s20  }
0x9e: {  	_ =	swait.ge [sflag:s22], s20  }
0x9f: {  	s4 =	ssub.s32 $0x0, s20;
	[sflag:s22] =	ssyncset.done $0x0  }
0xa0: {  	[sflag:s22] =	ssyncadd.s32 s4;
	_ =	sdelay $0x1  }
0xa1: {  	s23 =	simm.s32 $0x1B8B  }
0xa2: {  	_ =	swait.ge [sflag:s23], $0x1  }
0xa3: {  	[sflag:s23] =	ssyncset.done $0x0  }
0xa4: {  	s25 =	simm.s32 $0x1B8E;
	s24 =	sld [smem:$0x3FFE];
	[sflag:s23] =	ssyncadd.s32 $0xFFFFFFFF  }
0xa5: {  	s26 =	simm.s32 $execute0_lowered;
	[smem:$0x3FD2] =	sst s25  }
0xa6: {  	s5 =	sshll.u32 s26, $0x1;
	_ =	strace $0x80000046;
	[dreg:$0x1] =	wrdreg $0xFFFFFFFF  }
0xa7: {  	s28 =	simm.s32 $_size_execute0_lowered;
	s3 =	sadd.s32 s3, s5;
	[dreg:$0x0] =	wrdreg $0x0  }
0xa8: {  	s5 =	sshll.u32 s28, $0x1;
	[dreg:$0x2] =	wrdreg s3  }
0xa9: {  	[dreg:$0x3] =	wrdreg s5  }
0xaa: {  	[dreg:$0x4] =	wrdreg $0xC0  }
0xab: {  	_ =	task [dreg:s7], $0x5FFFF  }
0xac: {  	[dreg:$0x1] =	wrdreg $0xFFFFFFFF  }
0xad: {  	[dreg:$0x0] =	wrdreg $0x60  }
0xae: {  	[dreg:$0x2] =	wrdreg s2  }
0xaf: {  	[dreg:$0x3] =	wrdreg s24  }
0xb0: {  	[dreg:$0x4] =	wrdreg $0x28800  }
0xb1: {  	[dreg:$0x5] =	wrdreg $0x9  }
0xb2: {  	_ =	task.clear_ibuf [dreg:s7], $0x6FFFF;
	_ =	strace $0x90000046  }
0xb3: {  	s29 =	simm.s32 $0x9;
	_ =	strace $0x80000048  }
0xb4: {  	_ =	swait.ge [sflag:s29], $0x1  }
0xb5: {  	[sflag:s29] =	ssyncadd.s32 $0xFFFFFFFF  }
0xb6: {  	_ =	strace $0x90000048  }
0xb7: {  	_ =	sfence  }
0xb8: {  	s30 =	sld [smem:$0x0];
	_ =	sdelay $0x2  }
0xb9: {  	s31 =	sshll.u32 s1, $0xD;
	s1 =	sshrl.u32 s1, $0x2  }
0xba: {  	s3 =	sand.u32 $0x4000, s31;
	s1 =	sadd.s32 s1, s30  }
0xbb: {  	s0 =	sor.u32 s3, s0;
	s1 =	sshll.u32 s1, $0x11  }
0xbc: {  	s0 =	sor.u32 s1, s0  }
0xbd: {  	s0 =	sadd.s32 $0x8F2B, s0  }
0xbe: {  	[sflag:s0] =	ssyncadd.remote.s32 $0x1  }
0xbf: {  	_ =	sfence.sel $0xFFFF  }
0xc0: {  	[dreg:$0x0] =	wrdreg $0xFFFFFFFF;
	(pc) =	sbr.abs _section_cstart, $3  }
0xc1: {  	[dreg:$0x1] =	wrdreg $0xFFFFFFFF  }
0xc2: {  	_ =	task.clear_ibuf [dreg:s7], $0x2FFFF;
	_ =	strace $0x9FFFFFFF  }
0xc3: {  	(tm) =	ssettm $0x7FFFFFFF  }
tec
execute0_lowered:
.L_overlay_start_1:
0x0: {  	(tag) =	ssettag $0x1  }
0x1: {  	s6 =	rddreg [dreg:$0x0]  }
0x2: {  	s5 =	rddreg [dreg:$0x1]  }
0x3: {  	s2 =	rddreg [dreg:$0x2]  }
0x4: {  	s0 =	rddreg [dreg:$0x3]  }
0x5: {  	s4 =	srdreg.scid;
	s1 =	stileid.u32  }
0x6: {  	s3 =	simm.s32 $0x0;
	s12 =	simm.s32 $0x2800;
	s13 =	simm.s32 $0x0  }
0x7: {  	s7 =	sand.u32 $0x1, s4;
	s8 =	smul.u32 $0x280, s1;
	[smem:$0x7FF] =	sst s3  }
0x8: {  	s4 =	sadd.s32 $0x2400, s5;
	s10 =	sshll.u32 s1, $0x1;
	s31 =	sshll.u32 s1, $0x6  }
0x9: {  	s9 =	smul.u32 $0x2800, s7;
	_ =	strace $0x80000047;
	s11 =	ssub.s32 $0x2, s7  }
0xa: {  	s7 =	sor.u32 s7, s10;
	s10 =	simm.s32 $0x1;
	s28 =	sshrl.u32 s11, $0x1  }
0xb: {  	s7 =	smul.u32 $0x500, s7;
	s30 =	sadd.s32 s8, s2;
	s9 =	sadd.s32 s8, s9  }
0xc: {  	s29 =	ssub.s32 s11, s28;
	s11 =	simm.s32 $0x80;
	s9 =	sshrl.u32 s9, $0x3  }
0xd: {  	s6 =	sadd.s32 s6, s7;
	s8 =	smax.u32 s29, $0x1;
	s9 =	sadd.s32 s9, s5  }
0xe: {  	v0 =	vimm.f32 $1.000000000e+00;
	s5 =	sor.u32 $0x1C01, s31;
	s7 =	sadd.s32 $0x2600, s9;
	s9 =	sshrl.u32 s30, $0x3  }
.LBB2_1:
0xf: {  	[spmem:s9], [sflag:s5] =	dma.local [hbm:s4], $0x50  }
0x10: {  	_ =	swait.ge [sflag:s10], $0x50  }
0x11: {  	[sflag:s10] =	ssyncset.done $0x0  }
0x12: {  	[sflag:s10] =	ssyncadd.s32 $0xFFFFFFB0  }
0x13: {  	[tilespmem:s3], [sflag:$0x1] =	stream.linear.gather [hbm4b:s6+s3], $0x2780, $0x38;
	[tilespmem:$0x2B00] =	vst v63  }
0x14: {  	_ =	swait.ge [sflag:s10], $0x2780  }
0x15: {  	[sflag:s10] =	ssyncset.done $0x0  }
0x16: {  	[sflag:s10] =	ssyncadd.s32 $0xFFFFD880  }
0x17: {  	[tilespmem:$0x2800] =	vst v0  }
0x18: {  	[tilespmem:$0x2810] =	vst v0  }
0x19: {  	[tilespmem:$0x2820] =	vst v0  }
0x1a: {  	[tilespmem:$0x2830] =	vst v0  }
0x1b: {  	[tilespmem:$0x2840] =	vst v0  }
0x1c: {  	[tilespmem:$0x2850] =	vst v0  }
0x1d: {  	[tilespmem:$0x2860] =	vst v0  }
0x1e: {  	[tilespmem:$0x2870] =	vst v0  }
0x1f: {  	s14 =	simm.s32 $0x0;
	[bflag:$0x0] =	sbarrier.arrive $0xFFFF  }
0x20: {  	[spmem:s2] =	stream.indirect.scatter.add.f32 [tilespmem:s12], [sflag:$0x1], $0x1, s14, s11, $0xb8;
	[tilespmem:$0x2B00] =	vst v63  }
0x21: {  	_ =	swait.ge [sflag:s10], $0x80  }
0x22: {  	s14 =	simm.s32 $0x200;
	[sflag:s10] =	ssyncset.done $0x0  }
.LBB2_2:
0x23: {  	s15 =	sshra.s32 s14, $0x2;
	[sflag:s10] =	ssyncadd.s32 $0xFFFFFF80;
	p0 =	sne.s32 s14, $0x9C00  }
0x24: {  	[spmem:s2] =	stream.indirect.scatter.add.f32 [tilespmem:s12], [sflag:$0x1], $0x1, s15, s11, $0xb8;
	[tilespmem:$0x2B00] =	vst v63  }
.Ltmp0:
0x25: {  	_ = 	snop;
	(pc) =	sbr.rel @p0 .LBB2_2-.Ltmp0, $4  }
0x26: {  	_ = 	snop  }
0x27: {  	s14 =	sadd.s32 $0x200, s14  }
0x28: {  	_ =	swait.ge [sflag:s10], $0x80  }
0x29: {  	[sflag:s10] =	ssyncset.done $0x0  }
0x2a: {  	s13 =	sadd.s32 $0x1, s13  }
0x2b: {  	[sflag:s10] =	ssyncadd.s32 $0xFFFFFF80;
	p0 =	sne.s32 s13, s8  }
.Ltmp1:
0x2c: {  	[bflag:$0x0] =	sbarrier.arrive $0xFFFF;
	(pc) =	sbr.rel @p0 .LBB2_1-.Ltmp1, $4  }
0x2d: {  	[hbm:s7], [sflag:s5] =	dma.local [spmem:s9], $0x50  }
0x2e: {  	_ =	swait.ge [sflag:s10], $0x50  }
0x2f: {  	[sflag:s10] =	ssyncset.done $0x0  }
0x30: {  	[sflag:s10] =	ssyncadd.s32 $0xFFFFFFB0  }
0x31: {  	_ =	sfence.sel $0x180000  }
0x32: {  	[bflag:$0x0] =	sbarrier.arrive $0xFFFF  }
0x33: {  	p0 =	sne.s32 s1, $0x0;
	_ =	strace $0x90000047  }
0x34: {  	s0 =	sadd.s32 @!p0 $0x100000, s0;
	[bflag:$0x2] =	sbarrier.arrive $0xFFFF  }
0x35: {  	[sflag:s0] =	ssyncadd.tile.s32 @!p0 $0x1;
	_ =	shalt  }
.Lfunc_end2:
_tile_overlayer_lowered:
.L_overlay_start_2:
0x36: {  	(tag) =	ssettag $0x2  }
0x37: {  	s0 =	rddreg [dreg:$0x0];
	s2 =	stileid.u32  }
0x38: {  	s1 =	rddreg [dreg:$0x1];
	p0 =	sne.s32 s2, $0x0  }
0x39: {  	s3 =	rddreg [dreg:$0x2];
	[bflag:$0x3] =	sbarrier.arrive $0xFFFF;
	s2 =	simm.s32 @!p0 $0x1C01  }
0x3a: {  	[timem:s3], [sflag:s2] =	dma.local @!p0 [hbm:s0], s1  }
0x3b: {  	s0 =	simm.s32 @!p0 $0x1  }
0x3c: {  	_ =	swait.ge @!p0 [sflag:s0], s1  }
0x3d: {  	s1 =	ssub.s32 @!p0 $0x0, s1;
	[sflag:s0] =	ssyncset.done @!p0 $0x0  }
0x3e: {  	[sflag:s0] =	ssyncadd.s32 @!p0 s1  }
0x3f: {  	[bflag:$0x3] =	sbarrier.arrive $0xFFFF  }
0x40: {  	_ =	shalt  }

</sc_bundles>
